<compile_context>
chip_gen: v7x
topology: tpu7x:2x2x1
jax: 0.10.2.dev20260603
libtpu: 0.0.44.dev20260713+nightly
codegen_flags: <defaults>
</compile_context>

<pallas_src>
import functools

import jax
import jax.numpy as jnp
from jax import lax
from jax.experimental import pallas as pl
from jax.experimental.pallas import tpu as pltpu
from jax.experimental.pallas import tpu_sc as plsc

E = 320000
R = 10000
RP = 10240
D = 128
NC = 2
NS = 16
NWORK = NC * NS
EPT = E // NWORK
W = 128
NB = 2
NFULL = EPT // W
REM = EPT - NFULL * W
NWIN = NFULL + (1 if REM else 0)
NWINP = -(-NWIN // NB) * NB
TAIL = EPT - W
RPT = RP // NS
LANES = 16
NGRP = NWINP // NB


def _win_off(j):
    return jnp.where(j < NFULL, j * W, jnp.where(j == NFULL, TAIL, 0))


def _sc_scatter_body(
    i1_hbm, idx_hbm, out_hbm, idx_v, upd_v, acc_sh, isem, gsems
):
    c = lax.axis_index("c")
    s = lax.axis_index("s")
    wid = c * NS + s
    ebase = wid * EPT

    idx_cp = pltpu.async_copy(idx_hbm.at[wid], idx_v, isem)

    def zero_row(i, carry):
        for blk in range(D // LANES):
            upd_v[0, i, pl.ds(blk * LANES, LANES)] = jnp.zeros(
                (LANES,), jnp.float32
            )
        return carry

    lax.fori_loop(0, W, zero_row, 0)
    zcps = [
        pltpu.async_copy(
            upd_v.at[0], acc_sh.at[pl.ds(s * RPT + r * W, W)], gsems[0]
        )
        for r in range(RPT // W)
    ]
    for z in zcps:
        z.wait()

    prime = [
        pltpu.async_copy(
            i1_hbm.at[pl.ds(ebase + b * W, W)], upd_v.at[b], gsems[b]
        )
        for b in range(NB)
    ]
    idx_cp.wait()

    lane = lax.iota(jnp.int32, LANES)
    tail_vec = idx_v[NFULL, pl.ds(0, LANES)]
    idx_v[NFULL, pl.ds(W - REM, LANES)] = tail_vec
    for k in range((W - REM) // LANES):
        idx_v[NFULL, pl.ds(k * LANES, LANES)] = R + lane + k * LANES
    for k in range(W // LANES):
        idx_v[NFULL + 1, pl.ds(k * LANES, LANES)] = R + lane + (W - REM) + k * LANES
    plsc.subcore_barrier()

    def group(g, carry):
        for b in range(NB):
            j = g * NB + b
            prime[b].wait()
            pltpu.sync_copy(upd_v.at[b], acc_sh.at[idx_v.at[j]], add=True)
            off = _win_off(j + NB)
            pltpu.async_copy(
                i1_hbm.at[pl.ds(ebase + off, W)], upd_v.at[b], gsems[b]
            )
        return carry

    lax.fori_loop(0, NGRP - 1, group, 0)
    base = (NGRP - 1) * NB
    for b in range(NB):
        prime[b].wait()
        pltpu.sync_copy(upd_v.at[b], acc_sh.at[idx_v.at[base + b]], add=True)
    plsc.subcore_barrier()

    rbase = s * RPT
    pltpu.sync_copy(
        acc_sh.at[pl.ds(rbase, RPT)],
        out_hbm.at[c, pl.ds(rbase, RPT)],
    )


_sc_scatter = functools.partial(
    pl.kernel,
    out_type=jax.ShapeDtypeStruct((NC, RP, D), jnp.float32),
    mesh=plsc.VectorSubcoreMesh(
        core_axis_name="c", subcore_axis_name="s", num_cores=NC, num_subcores=NS
    ),
    scratch_types=[
        pltpu.VMEM((NWINP, W), jnp.int32),
        pltpu.VMEM((NB, W, D), jnp.float32),
        pltpu.VMEM_SHARED((RP, D), jnp.float32),
        pltpu.SemaphoreType.DMA,
        [pltpu.SemaphoreType.DMA] * NB,
    ],
)(_sc_scatter_body)


def _sum_partials_body(a_ref, b_ref, o_ref):
    o_ref[...] = a_ref[0] + b_ref[0]


def kernel(i1, pair_i, p1):
    del p1
    idx = jnp.pad(
        pair_i.astype(jnp.int32).reshape(NWORK, EPT),
        ((0, 0), (0, NWINP * W - EPT)),
    ).reshape(NWORK, NWINP, W)
    partials = _sc_scatter(i1, idx)
    blk = 5000
    out = pl.pallas_call(
        _sum_partials_body,
        out_shape=jax.ShapeDtypeStruct((R, D), jnp.float32),
        grid=(R // blk,),
        in_specs=[
            pl.BlockSpec((1, blk, D), lambda i: (0, i, 0)),
            pl.BlockSpec((1, blk, D), lambda i: (1, i, 0)),
        ],
        out_specs=pl.BlockSpec((blk, D), lambda i: (i, 0)),
    )(partials, partials)
    return out

# --- scband reference (transcript-rebuilt; emitter-appended) ---
"""Pipeline reference for scband-iplayer-558345748925 (READ-ONLY COPY).

The authoritative reference and input builder live on the scoring server;
editing this copy changes nothing except your own understanding.
"""

import jax, jax.numpy as jnp
import numpy as np


def setup_inputs(seed: int = 0) -> dict:
    key = jax.random.key(seed)
    k1, k2, k3 = jax.random.split(key, 3)
    i1 = jax.random.normal(k1, (320000, 128), dtype=jnp.float32)
    pair_i = jax.random.randint(k2, (320000,), 0, 10000, dtype=jnp.int64 if jax.config.jax_enable_x64 else jnp.int32)
    p1 = jax.random.normal(k3, (10000, 128), dtype=jnp.float32)
    return {"i1": i1, "pair_i": pair_i, "p1": p1}


def reference(i1, pair_i, p1):
    # torch.index_add(zeros_like(p1), 0, pair_i, i1)
    out = jnp.zeros_like(p1).at[pair_i].add(i1)
    return out

if __name__ == "__main__":
    import jax
    _d = setup_inputs()
    print(jax.jit(kernel)(*tuple(_d.values())))

</pallas_src>

<mosaic_0001>
#map = affine_map<(d0, d1) -> (0, 0)>
#map1 = affine_map<(d0, d1) -> (0, 0, 0)>
module attributes {stable_mosaic.version = 14 : i64} {
  func.func @_sc_scatter_body(%arg0: i32, %arg1: i32, %arg2: memref<320000x128xf32, #tpu.memory_space<hbm>>, %arg3: memref<32x80x128xi32, #tpu.memory_space<hbm>>, %arg4: memref<2x10240x128xf32, #tpu.memory_space<hbm>>, %arg5: memref<80x128xi32, #tpu.memory_space<vmem>>, %arg6: memref<2x128x128xf32, #tpu.memory_space<vmem>>, %arg7: memref<10240x128xf32, #tpu.memory_space<vmem_shared>>, %arg8: memref<!tpu.dma_semaphore, #tpu.memory_space<semaphore_mem>>, %arg9: memref<!tpu.dma_semaphore, #tpu.memory_space<semaphore_mem>>, %arg10: memref<!tpu.dma_semaphore, #tpu.memory_space<semaphore_mem>>) attributes {dimension_semantics = [#tpu.dimension_semantics<core_parallel>, #tpu.dimension_semantics<subcore_parallel>], iteration_bounds = array<i64: 2, 16>, scalar_prefetch = 0 : i64, scratch_operands = 6 : i64, tpu.core_type = #tpu.core_type<sc_vector_subcore>, window_params = [{transform_indices = #map}, {transform_indices = #map1}, {transform_indices = #map1}]} {
    %mul3A = arith.constant 16 : i32
    %mul3A_0 = arith.muli %arg0, %mul3A : i32
    %add3A = arith.addi %mul3A_0, %arg1 : i32
    %mul3A_1 = arith.constant 10000 : i32
    %mul3A_2 = arith.muli %add3A, %mul3A_1 : i32
    %dma_start3A = arith.constant 0 : i32
    %dma_start3A_3 = arith.constant 0 : i32
    %dma_start3A_4 = tpu.memref_slice %arg3[%add3A, %dma_start3A, %dma_start3A_3] : memref<32x80x128xi32, #tpu.memory_space<hbm>> -> memref<1x80x128xi32, #tpu.memory_space<hbm>>
    %dma_start3A_5 = tpu.memref_squeeze %dma_start3A_4 : memref<1x80x128xi32, #tpu.memory_space<hbm>> -> memref<80x128xi32, #tpu.memory_space<hbm>>
    %dma_start3A_6 = arith.constant 0 : i32
    %dma_start3A_7 = arith.constant 0 : i32
    %dma_start3A_8 = tpu.memref_slice %arg3[%add3A, %dma_start3A_6, %dma_start3A_7] : memref<32x80x128xi32, #tpu.memory_space<hbm>> -> memref<1x80x128xi32, #tpu.memory_space<hbm>>
    %dma_start3A_9 = tpu.memref_squeeze %dma_start3A_8 : memref<1x80x128xi32, #tpu.memory_space<hbm>> -> memref<80x128xi32, #tpu.memory_space<hbm>>
    tpu.enqueue_dma source(%dma_start3A_9 : memref<80x128xi32, #tpu.memory_space<hbm>>) target(%arg5 : memref<80x128xi32, #tpu.memory_space<vmem>>) target_semaphore(%arg8 : memref<!tpu.dma_semaphore, #tpu.memory_space<semaphore_mem>>)
    %scan3A = arith.constant 0 : i32
    %scan3A_10 = arith.constant 0 : i32
    %scan3A_11 = arith.constant 128 : i32
    %scan3A_12 = arith.addi %scan3A_10, %scan3A_11 : i32
    %scan3A_13 = arith.constant 1 : i32
    scf.for %scan3A_455 = %scan3A_10 to %scan3A_12 step %scan3A_13  : i32 {
      %broadcast_in_dim3A = arith.constant 0.000000e+00 : f32
      %broadcast_in_dim3A_456 = vector.broadcast %broadcast_in_dim3A : f32 to vector<16xf32>
      %swap3A_457 = arith.constant 0 : i32
      %swap3A_458 = arith.index_cast %swap3A_457 : i32 to index
      %swap3A_459 = arith.index_cast %scan3A_455 : i32 to index
      %swap3A_460 = arith.constant 0 : index
      %swap3A_461 = tpu.vector_load %arg6[%swap3A_458, %swap3A_459, %swap3A_460] {strides = array<i32>} : memref<2x128x128xf32, #tpu.memory_space<vmem>>, vector<1x1x16xf32>,
      %swap3A_462 = vector.shape_cast %swap3A_461 : vector<1x1x16xf32> to vector<16xf32>
      %swap3A_463 = vector.shape_cast %broadcast_in_dim3A_456 : vector<16xf32> to vector<1x1x16xf32>
      tpu.vector_store %arg6[%swap3A_458, %swap3A_459, %swap3A_460], %swap3A_463 {strides = array<i32>} : memref<2x128x128xf32, #tpu.memory_space<vmem>>, vector<1x1x16xf32>,
      %broadcast_in_dim3A_464 = arith.constant 0.000000e+00 : f32
      %broadcast_in_dim3A_465 = vector.broadcast %broadcast_in_dim3A_464 : f32 to vector<16xf32>
      %swap3A_466 = arith.constant 0 : i32
      %swap3A_467 = arith.index_cast %swap3A_466 : i32 to index
      %swap3A_468 = arith.index_cast %scan3A_455 : i32 to index
      %swap3A_469 = arith.constant 16 : index
      %swap3A_470 = tpu.vector_load %arg6[%swap3A_467, %swap3A_468, %swap3A_469] {strides = array<i32>} : memref<2x128x128xf32, #tpu.memory_space<vmem>>, vector<1x1x16xf32>,
      %swap3A_471 = vector.shape_cast %swap3A_470 : vector<1x1x16xf32> to vector<16xf32>
      %swap3A_472 = vector.shape_cast %broadcast_in_dim3A_465 : vector<16xf32> to vector<1x1x16xf32>
      tpu.vector_store %arg6[%swap3A_467, %swap3A_468, %swap3A_469], %swap3A_472 {strides = array<i32>} : memref<2x128x128xf32, #tpu.memory_space<vmem>>, vector<1x1x16xf32>,
      %broadcast_in_dim3A_473 = arith.constant 0.000000e+00 : f32
      %broadcast_in_dim3A_474 = vector.broadcast %broadcast_in_dim3A_473 : f32 to vector<16xf32>
      %swap3A_475 = arith.constant 0 : i32
      %swap3A_476 = arith.index_cast %swap3A_475 : i32 to index
      %swap3A_477 = arith.index_cast %scan3A_455 : i32 to index
      %swap3A_478 = arith.constant 32 : index
      %swap3A_479 = tpu.vector_load %arg6[%swap3A_476, %swap3A_477, %swap3A_478] {strides = array<i32>} : memref<2x128x128xf32, #tpu.memory_space<vmem>>, vector<1x1x16xf32>,
      %swap3A_480 = vector.shape_cast %swap3A_479 : vector<1x1x16xf32> to vector<16xf32>
      %swap3A_481 = vector.shape_cast %broadcast_in_dim3A_474 : vector<16xf32> to vector<1x1x16xf32>
      tpu.vector_store %arg6[%swap3A_476, %swap3A_477, %swap3A_478], %swap3A_481 {strides = array<i32>} : memref<2x128x128xf32, #tpu.memory_space<vmem>>, vector<1x1x16xf32>,
      %broadcast_in_dim3A_482 = arith.constant 0.000000e+00 : f32
      %broadcast_in_dim3A_483 = vector.broadcast %broadcast_in_dim3A_482 : f32 to vector<16xf32>
      %swap3A_484 = arith.constant 0 : i32
      %swap3A_485 = arith.index_cast %swap3A_484 : i32 to index
      %swap3A_486 = arith.index_cast %scan3A_455 : i32 to index
      %swap3A_487 = arith.constant 48 : index
      %swap3A_488 = tpu.vector_load %arg6[%swap3A_485, %swap3A_486, %swap3A_487] {strides = array<i32>} : memref<2x128x128xf32, #tpu.memory_space<vmem>>, vector<1x1x16xf32>,
      %swap3A_489 = vector.shape_cast %swap3A_488 : vector<1x1x16xf32> to vector<16xf32>
      %swap3A_490 = vector.shape_cast %broadcast_in_dim3A_483 : vector<16xf32> to vector<1x1x16xf32>
      tpu.vector_store %arg6[%swap3A_485, %swap3A_486, %swap3A_487], %swap3A_490 {strides = array<i32>} : memref<2x128x128xf32, #tpu.memory_space<vmem>>, vector<1x1x16xf32>,
      %broadcast_in_dim3A_491 = arith.constant 0.000000e+00 : f32
      %broadcast_in_dim3A_492 = vector.broadcast %broadcast_in_dim3A_491 : f32 to vector<16xf32>
      %swap3A_493 = arith.constant 0 : i32
      %swap3A_494 = arith.index_cast %swap3A_493 : i32 to index
      %swap3A_495 = arith.index_cast %scan3A_455 : i32 to index
      %swap3A_496 = arith.constant 64 : index
      %swap3A_497 = tpu.vector_load %arg6[%swap3A_494, %swap3A_495, %swap3A_496] {strides = array<i32>} : memref<2x128x128xf32, #tpu.memory_space<vmem>>, vector<1x1x16xf32>,
      %swap3A_498 = vector.shape_cast %swap3A_497 : vector<1x1x16xf32> to vector<16xf32>
      %swap3A_499 = vector.shape_cast %broadcast_in_dim3A_492 : vector<16xf32> to vector<1x1x16xf32>
      tpu.vector_store %arg6[%swap3A_494, %swap3A_495, %swap3A_496], %swap3A_499 {strides = array<i32>} : memref<2x128x128xf32, #tpu.memory_space<vmem>>, vector<1x1x16xf32>,
      %broadcast_in_dim3A_500 = arith.constant 0.000000e+00 : f32
      %broadcast_in_dim3A_501 = vector.broadcast %broadcast_in_dim3A_500 : f32 to vector<16xf32>
      %swap3A_502 = arith.constant 0 : i32
      %swap3A_503 = arith.index_cast %swap3A_502 : i32 to index
      %swap3A_504 = arith.index_cast %scan3A_455 : i32 to index
      %swap3A_505 = arith.constant 80 : index
      %swap3A_506 = tpu.vector_load %arg6[%swap3A_503, %swap3A_504, %swap3A_505] {strides = array<i32>} : memref<2x128x128xf32, #tpu.memory_space<vmem>>, vector<1x1x16xf32>,
      %swap3A_507 = vector.shape_cast %swap3A_506 : vector<1x1x16xf32> to vector<16xf32>
      %swap3A_508 = vector.shape_cast %broadcast_in_dim3A_501 : vector<16xf32> to vector<1x1x16xf32>
      tpu.vector_store %arg6[%swap3A_503, %swap3A_504, %swap3A_505], %swap3A_508 {strides = array<i32>} : memref<2x128x128xf32, #tpu.memory_space<vmem>>, vector<1x1x16xf32>,
      %broadcast_in_dim3A_509 = arith.constant 0.000000e+00 : f32
      %broadcast_in_dim3A_510 = vector.broadcast %broadcast_in_dim3A_509 : f32 to vector<16xf32>
      %swap3A_511 = arith.constant 0 : i32
      %swap3A_512 = arith.index_cast %swap3A_511 : i32 to index
      %swap3A_513 = arith.index_cast %scan3A_455 : i32 to index
      %swap3A_514 = arith.constant 96 : index
      %swap3A_515 = tpu.vector_load %arg6[%swap3A_512, %swap3A_513, %swap3A_514] {strides = array<i32>} : memref<2x128x128xf32, #tpu.memory_space<vmem>>, vector<1x1x16xf32>,
      %swap3A_516 = vector.shape_cast %swap3A_515 : vector<1x1x16xf32> to vector<16xf32>
      %swap3A_517 = vector.shape_cast %broadcast_in_dim3A_510 : vector<16xf32> to vector<1x1x16xf32>
      tpu.vector_store %arg6[%swap3A_512, %swap3A_513, %swap3A_514], %swap3A_517 {strides = array<i32>} : memref<2x128x128xf32, #tpu.memory_space<vmem>>, vector<1x1x16xf32>,
      %broadcast_in_dim3A_518 = arith.constant 0.000000e+00 : f32
      %broadcast_in_dim3A_519 = vector.broadcast %broadcast_in_dim3A_518 : f32 to vector<16xf32>
      %swap3A_520 = arith.constant 0 : i32
      %swap3A_521 = arith.index_cast %swap3A_520 : i32 to index
      %swap3A_522 = arith.index_cast %scan3A_455 : i32 to index
      %swap3A_523 = arith.constant 112 : index
      %swap3A_524 = tpu.vector_load %arg6[%swap3A_521, %swap3A_522, %swap3A_523] {strides = array<i32>} : memref<2x128x128xf32, #tpu.memory_space<vmem>>, vector<1x1x16xf32>,
      %swap3A_525 = vector.shape_cast %swap3A_524 : vector<1x1x16xf32> to vector<16xf32>
      %swap3A_526 = vector.shape_cast %broadcast_in_dim3A_519 : vector<16xf32> to vector<1x1x16xf32>
      tpu.vector_store %arg6[%swap3A_521, %swap3A_522, %swap3A_523], %swap3A_526 {strides = array<i32>} : memref<2x128x128xf32, #tpu.memory_space<vmem>>, vector<1x1x16xf32>,
    }
    %scan3A_14 = arith.constant 128 : i32
    %mul3A_15 = arith.constant 640 : i32
    %mul3A_16 = arith.muli %arg1, %mul3A_15 : i32
    %add3A_17 = arith.constant 0 : i32
    %add3A_18 = arith.addi %mul3A_16, %add3A_17 : i32
    %dma_start3A_19 = arith.constant 0 : i32
    %dma_start3A_20 = arith.constant 0 : i32
    %dma_start3A_21 = arith.constant 0 : i32
    %dma_start3A_22 = tpu.memref_slice %arg6[%dma_start3A_19, %dma_start3A_20, %dma_start3A_21] : memref<2x128x128xf32, #tpu.memory_space<vmem>> -> memref<1x128x128xf32, #tpu.memory_space<vmem>>
    %dma_start3A_23 = tpu.memref_squeeze %dma_start3A_22 : memref<1x128x128xf32, #tpu.memory_space<vmem>> -> memref<128x128xf32, #tpu.memory_space<vmem>>
    %dma_start3A_24 = arith.constant 0 : i32
    %dma_start3A_25 = tpu.memref_slice %arg7[%add3A_18, %dma_start3A_24] : memref<10240x128xf32, #tpu.memory_space<vmem_shared>> -> memref<128x128xf32, #tpu.memory_space<vmem_shared>>
    %dma_start3A_26 = arith.constant 0 : i32
    %dma_start3A_27 = tpu.memref_slice %arg7[%add3A_18, %dma_start3A_26] : memref<10240x128xf32, #tpu.memory_space<vmem_shared>> -> memref<128x128xf32, #tpu.memory_space<vmem_shared>>
    %dma_start3A_28 = arith.constant 0 : i32
    %dma_start3A_29 = arith.constant 0 : i32
    %dma_start3A_30 = tpu.memref_slice %arg6[%dma_start3A_19, %dma_start3A_28, %dma_start3A_29] : memref<2x128x128xf32, #tpu.memory_space<vmem>> -> memref<1x128x128xf32, #tpu.memory_space<vmem>>
    %dma_start3A_31 = tpu.memref_squeeze %dma_start3A_30 : memref<1x128x128xf32, #tpu.memory_space<vmem>> -> memref<128x128xf32, #tpu.memory_space<vmem>>
    tpu.enqueue_dma source(%dma_start3A_31 : memref<128x128xf32, #tpu.memory_space<vmem>>) target(%dma_start3A_27 : memref<128x128xf32, #tpu.memory_space<vmem_shared>>) target_semaphore(%arg9 : memref<!tpu.dma_semaphore, #tpu.memory_space<semaphore_mem>>)
    %mul3A_32 = arith.constant 640 : i32
    %mul3A_33 = arith.muli %arg1, %mul3A_32 : i32
    %add3A_34 = arith.constant 128 : i32
    %add3A_35 = arith.addi %mul3A_33, %add3A_34 : i32
    %dma_start3A_36 = arith.constant 0 : i32
    %dma_start3A_37 = arith.constant 0 : i32
    %dma_start3A_38 = arith.constant 0 : i32
    %dma_start3A_39 = tpu.memref_slice %arg6[%dma_start3A_36, %dma_start3A_37, %dma_start3A_38] : memref<2x128x128xf32, #tpu.memory_space<vmem>> -> memref<1x128x128xf32, #tpu.memory_space<vmem>>
    %dma_start3A_40 = tpu.memref_squeeze %dma_start3A_39 : memref<1x128x128xf32, #tpu.memory_space<vmem>> -> memref<128x128xf32, #tpu.memory_space<vmem>>
    %dma_start3A_41 = arith.constant 0 : i32
    %dma_start3A_42 = tpu.memref_slice %arg7[%add3A_35, %dma_start3A_41] : memref<10240x128xf32, #tpu.memory_space<vmem_shared>> -> memref<128x128xf32, #tpu.memory_space<vmem_shared>>
    %dma_start3A_43 = arith.constant 0 : i32
    %dma_start3A_44 = tpu.memref_slice %arg7[%add3A_35, %dma_start3A_43] : memref<10240x128xf32, #tpu.memory_space<vmem_shared>> -> memref<128x128xf32, #tpu.memory_space<vmem_shared>>
    %dma_start3A_45 = arith.constant 0 : i32
    %dma_start3A_46 = arith.constant 0 : i32
    %dma_start3A_47 = tpu.memref_slice %arg6[%dma_start3A_36, %dma_start3A_45, %dma_start3A_46] : memref<2x128x128xf32, #tpu.memory_space<vmem>> -> memref<1x128x128xf32, #tpu.memory_space<vmem>>
    %dma_start3A_48 = tpu.memref_squeeze %dma_start3A_47 : memref<1x128x128xf32, #tpu.memory_space<vmem>> -> memref<128x128xf32, #tpu.memory_space<vmem>>
    tpu.enqueue_dma source(%dma_start3A_48 : memref<128x128xf32, #tpu.memory_space<vmem>>) target(%dma_start3A_44 : memref<128x128xf32, #tpu.memory_space<vmem_shared>>) target_semaphore(%arg9 : memref<!tpu.dma_semaphore, #tpu.memory_space<semaphore_mem>>)
    %mul3A_49 = arith.constant 640 : i32
    %mul3A_50 = arith.muli %arg1, %mul3A_49 : i32
    %add3A_51 = arith.constant 256 : i32
    %add3A_52 = arith.addi %mul3A_50, %add3A_51 : i32
    %dma_start3A_53 = arith.constant 0 : i32
    %dma_start3A_54 = arith.constant 0 : i32
    %dma_start3A_55 = arith.constant 0 : i32
    %dma_start3A_56 = tpu.memref_slice %arg6[%dma_start3A_53, %dma_start3A_54, %dma_start3A_55] : memref<2x128x128xf32, #tpu.memory_space<vmem>> -> memref<1x128x128xf32, #tpu.memory_space<vmem>>
    %dma_start3A_57 = tpu.memref_squeeze %dma_start3A_56 : memref<1x128x128xf32, #tpu.memory_space<vmem>> -> memref<128x128xf32, #tpu.memory_space<vmem>>
    %dma_start3A_58 = arith.constant 0 : i32
    %dma_start3A_59 = tpu.memref_slice %arg7[%add3A_52, %dma_start3A_58] : memref<10240x128xf32, #tpu.memory_space<vmem_shared>> -> memref<128x128xf32, #tpu.memory_space<vmem_shared>>
    %dma_start3A_60 = arith.constant 0 : i32
    %dma_start3A_61 = tpu.memref_slice %arg7[%add3A_52, %dma_start3A_60] : memref<10240x128xf32, #tpu.memory_space<vmem_shared>> -> memref<128x128xf32, #tpu.memory_space<vmem_shared>>
    %dma_start3A_62 = arith.constant 0 : i32
    %dma_start3A_63 = arith.constant 0 : i32
    %dma_start3A_64 = tpu.memref_slice %arg6[%dma_start3A_53, %dma_start3A_62, %dma_start3A_63] : memref<2x128x128xf32, #tpu.memory_space<vmem>> -> memref<1x128x128xf32, #tpu.memory_space<vmem>>
    %dma_start3A_65 = tpu.memref_squeeze %dma_start3A_64 : memref<1x128x128xf32, #tpu.memory_space<vmem>> -> memref<128x128xf32, #tpu.memory_space<vmem>>
    tpu.enqueue_dma source(%dma_start3A_65 : memref<128x128xf32, #tpu.memory_space<vmem>>) target(%dma_start3A_61 : memref<128x128xf32, #tpu.memory_space<vmem_shared>>) target_semaphore(%arg9 : memref<!tpu.dma_semaphore, #tpu.memory_space<semaphore_mem>>)
    %mul3A_66 = arith.constant 640 : i32
    %mul3A_67 = arith.muli %arg1, %mul3A_66 : i32
    %add3A_68 = arith.constant 384 : i32
    %add3A_69 = arith.addi %mul3A_67, %add3A_68 : i32
    %dma_start3A_70 = arith.constant 0 : i32
    %dma_start3A_71 = arith.constant 0 : i32
    %dma_start3A_72 = arith.constant 0 : i32
    %dma_start3A_73 = tpu.memref_slice %arg6[%dma_start3A_70, %dma_start3A_71, %dma_start3A_72] : memref<2x128x128xf32, #tpu.memory_space<vmem>> -> memref<1x128x128xf32, #tpu.memory_space<vmem>>
    %dma_start3A_74 = tpu.memref_squeeze %dma_start3A_73 : memref<1x128x128xf32, #tpu.memory_space<vmem>> -> memref<128x128xf32, #tpu.memory_space<vmem>>
    %dma_start3A_75 = arith.constant 0 : i32
    %dma_start3A_76 = tpu.memref_slice %arg7[%add3A_69, %dma_start3A_75] : memref<10240x128xf32, #tpu.memory_space<vmem_shared>> -> memref<128x128xf32, #tpu.memory_space<vmem_shared>>
    %dma_start3A_77 = arith.constant 0 : i32
    %dma_start3A_78 = tpu.memref_slice %arg7[%add3A_69, %dma_start3A_77] : memref<10240x128xf32, #tpu.memory_space<vmem_shared>> -> memref<128x128xf32, #tpu.memory_space<vmem_shared>>
    %dma_start3A_79 = arith.constant 0 : i32
    %dma_start3A_80 = arith.constant 0 : i32
    %dma_start3A_81 = tpu.memref_slice %arg6[%dma_start3A_70, %dma_start3A_79, %dma_start3A_80] : memref<2x128x128xf32, #tpu.memory_space<vmem>> -> memref<1x128x128xf32, #tpu.memory_space<vmem>>
    %dma_start3A_82 = tpu.memref_squeeze %dma_start3A_81 : memref<1x128x128xf32, #tpu.memory_space<vmem>> -> memref<128x128xf32, #tpu.memory_space<vmem>>
    tpu.enqueue_dma source(%dma_start3A_82 : memref<128x128xf32, #tpu.memory_space<vmem>>) target(%dma_start3A_78 : memref<128x128xf32, #tpu.memory_space<vmem_shared>>) target_semaphore(%arg9 : memref<!tpu.dma_semaphore, #tpu.memory_space<semaphore_mem>>)
    %mul3A_83 = arith.constant 640 : i32
    %mul3A_84 = arith.muli %arg1, %mul3A_83 : i32
    %add3A_85 = arith.constant 512 : i32
    %add3A_86 = arith.addi %mul3A_84, %add3A_85 : i32
    %dma_start3A_87 = arith.constant 0 : i32
    %dma_start3A_88 = arith.constant 0 : i32
    %dma_start3A_89 = arith.constant 0 : i32
    %dma_start3A_90 = tpu.memref_slice %arg6[%dma_start3A_87, %dma_start3A_88, %dma_start3A_89] : memref<2x128x128xf32, #tpu.memory_space<vmem>> -> memref<1x128x128xf32, #tpu.memory_space<vmem>>
    %dma_start3A_91 = tpu.memref_squeeze %dma_start3A_90 : memref<1x128x128xf32, #tpu.memory_space<vmem>> -> memref<128x128xf32, #tpu.memory_space<vmem>>
    %dma_start3A_92 = arith.constant 0 : i32
    %dma_start3A_93 = tpu.memref_slice %arg7[%add3A_86, %dma_start3A_92] : memref<10240x128xf32, #tpu.memory_space<vmem_shared>> -> memref<128x128xf32, #tpu.memory_space<vmem_shared>>
    %dma_start3A_94 = arith.constant 0 : i32
    %dma_start3A_95 = tpu.memref_slice %arg7[%add3A_86, %dma_start3A_94] : memref<10240x128xf32, #tpu.memory_space<vmem_shared>> -> memref<128x128xf32, #tpu.memory_space<vmem_shared>>
    %dma_start3A_96 = arith.constant 0 : i32
    %dma_start3A_97 = arith.constant 0 : i32
    %dma_start3A_98 = tpu.memref_slice %arg6[%dma_start3A_87, %dma_start3A_96, %dma_start3A_97] : memref<2x128x128xf32, #tpu.memory_space<vmem>> -> memref<1x128x128xf32, #tpu.memory_space<vmem>>
    %dma_start3A_99 = tpu.memref_squeeze %dma_start3A_98 : memref<1x128x128xf32, #tpu.memory_space<vmem>> -> memref<128x128xf32, #tpu.memory_space<vmem>>
    tpu.enqueue_dma source(%dma_start3A_99 : memref<128x128xf32, #tpu.memory_space<vmem>>) target(%dma_start3A_95 : memref<128x128xf32, #tpu.memory_space<vmem_shared>>) target_semaphore(%arg9 : memref<!tpu.dma_semaphore, #tpu.memory_space<semaphore_mem>>)
    %dma_wait3A = arith.constant 0 : i32
    %dma_wait3A_100 = arith.constant 0 : i32
    %dma_wait3A_101 = arith.constant 0 : i32
    %dma_wait3A_102 = tpu.memref_slice %arg6[%dma_wait3A, %dma_wait3A_100, %dma_wait3A_101] : memref<2x128x128xf32, #tpu.memory_space<vmem>> -> memref<1x128x128xf32, #tpu.memory_space<vmem>>
    %dma_wait3A_103 = tpu.memref_squeeze %dma_wait3A_102 : memref<1x128x128xf32, #tpu.memory_space<vmem>> -> memref<128x128xf32, #tpu.memory_space<vmem>>
    %dma_wait3A_104 = arith.constant 0 : i32
    %dma_wait3A_105 = tpu.memref_slice %arg7[%add3A_18, %dma_wait3A_104] : memref<10240x128xf32, #tpu.memory_space<vmem_shared>> -> memref<128x128xf32, #tpu.memory_space<vmem_shared>>
    %dma_wait3A_106 = arith.constant 0 : i32
    %dma_wait3A_107 = tpu.memref_slice %arg7[%add3A_18, %dma_wait3A_106] : memref<10240x128xf32, #tpu.memory_space<vmem_shared>> -> memref<128x128xf32, #tpu.memory_space<vmem_shared>>
    %dma_wait3A_108 = arith.constant 0 : i32
    %dma_wait3A_109 = arith.constant 0 : i32
    %dma_wait3A_110 = tpu.memref_slice %arg6[%dma_wait3A, %dma_wait3A_108, %dma_wait3A_109] : memref<2x128x128xf32, #tpu.memory_space<vmem>> -> memref<1x128x128xf32, #tpu.memory_space<vmem>>
    %dma_wait3A_111 = tpu.memref_squeeze %dma_wait3A_110 : memref<1x128x128xf32, #tpu.memory_space<vmem>> -> memref<128x128xf32, #tpu.memory_space<vmem>>
    tpu.wait_dma2 semaphore(%arg9 : memref<!tpu.dma_semaphore, #tpu.memory_space<semaphore_mem>>) src(%dma_wait3A_111 : memref<128x128xf32, #tpu.memory_space<vmem>>) dst(%dma_wait3A_107 : memref<128x128xf32, #tpu.memory_space<vmem_shared>>)
    %dma_wait3A_112 = arith.constant 0 : i32
    %dma_wait3A_113 = arith.constant 0 : i32
    %dma_wait3A_114 = arith.constant 0 : i32
    %dma_wait3A_115 = tpu.memref_slice %arg6[%dma_wait3A_112, %dma_wait3A_113, %dma_wait3A_114] : memref<2x128x128xf32, #tpu.memory_space<vmem>> -> memref<1x128x128xf32, #tpu.memory_space<vmem>>
    %dma_wait3A_116 = tpu.memref_squeeze %dma_wait3A_115 : memref<1x128x128xf32, #tpu.memory_space<vmem>> -> memref<128x128xf32, #tpu.memory_space<vmem>>
    %dma_wait3A_117 = arith.constant 0 : i32
    %dma_wait3A_118 = tpu.memref_slice %arg7[%add3A_35, %dma_wait3A_117] : memref<10240x128xf32, #tpu.memory_space<vmem_shared>> -> memref<128x128xf32, #tpu.memory_space<vmem_shared>>
    %dma_wait3A_119 = arith.constant 0 : i32
    %dma_wait3A_120 = tpu.memref_slice %arg7[%add3A_35, %dma_wait3A_119] : memref<10240x128xf32, #tpu.memory_space<vmem_shared>> -> memref<128x128xf32, #tpu.memory_space<vmem_shared>>
    %dma_wait3A_121 = arith.constant 0 : i32
    %dma_wait3A_122 = arith.constant 0 : i32
    %dma_wait3A_123 = tpu.memref_slice %arg6[%dma_wait3A_112, %dma_wait3A_121, %dma_wait3A_122] : memref<2x128x128xf32, #tpu.memory_space<vmem>> -> memref<1x128x128xf32, #tpu.memory_space<vmem>>
    %dma_wait3A_124 = tpu.memref_squeeze %dma_wait3A_123 : memref<1x128x128xf32, #tpu.memory_space<vmem>> -> memref<128x128xf32, #tpu.memory_space<vmem>>
    tpu.wait_dma2 semaphore(%arg9 : memref<!tpu.dma_semaphore, #tpu.memory_space<semaphore_mem>>) src(%dma_wait3A_124 : memref<128x128xf32, #tpu.memory_space<vmem>>) dst(%dma_wait3A_120 : memref<128x128xf32, #tpu.memory_space<vmem_shared>>)
    %dma_wait3A_125 = arith.constant 0 : i32
    %dma_wait3A_126 = arith.constant 0 : i32
    %dma_wait3A_127 = arith.constant 0 : i32
    %dma_wait3A_128 = tpu.memref_slice %arg6[%dma_wait3A_125, %dma_wait3A_126, %dma_wait3A_127] : memref<2x128x128xf32, #tpu.memory_space<vmem>> -> memref<1x128x128xf32, #tpu.memory_space<vmem>>
    %dma_wait3A_129 = tpu.memref_squeeze %dma_wait3A_128 : memref<1x128x128xf32, #tpu.memory_space<vmem>> -> memref<128x128xf32, #tpu.memory_space<vmem>>
    %dma_wait3A_130 = arith.constant 0 : i32
    %dma_wait3A_131 = tpu.memref_slice %arg7[%add3A_52, %dma_wait3A_130] : memref<10240x128xf32, #tpu.memory_space<vmem_shared>> -> memref<128x128xf32, #tpu.memory_space<vmem_shared>>
    %dma_wait3A_132 = arith.constant 0 : i32
    %dma_wait3A_133 = tpu.memref_slice %arg7[%add3A_52, %dma_wait3A_132] : memref<10240x128xf32, #tpu.memory_space<vmem_shared>> -> memref<128x128xf32, #tpu.memory_space<vmem_shared>>
    %dma_wait3A_134 = arith.constant 0 : i32
    %dma_wait3A_135 = arith.constant 0 : i32
    %dma_wait3A_136 = tpu.memref_slice %arg6[%dma_wait3A_125, %dma_wait3A_134, %dma_wait3A_135] : memref<2x128x128xf32, #tpu.memory_space<vmem>> -> memref<1x128x128xf32, #tpu.memory_space<vmem>>
    %dma_wait3A_137 = tpu.memref_squeeze %dma_wait3A_136 : memref<1x128x128xf32, #tpu.memory_space<vmem>> -> memref<128x128xf32, #tpu.memory_space<vmem>>
    tpu.wait_dma2 semaphore(%arg9 : memref<!tpu.dma_semaphore, #tpu.memory_space<semaphore_mem>>) src(%dma_wait3A_137 : memref<128x128xf32, #tpu.memory_space<vmem>>) dst(%dma_wait3A_133 : memref<128x128xf32, #tpu.memory_space<vmem_shared>>)
    %dma_wait3A_138 = arith.constant 0 : i32
    %dma_wait3A_139 = arith.constant 0 : i32
    %dma_wait3A_140 = arith.constant 0 : i32
    %dma_wait3A_141 = tpu.memref_slice %arg6[%dma_wait3A_138, %dma_wait3A_139, %dma_wait3A_140] : memref<2x128x128xf32, #tpu.memory_space<vmem>> -> memref<1x128x128xf32, #tpu.memory_space<vmem>>
    %dma_wait3A_142 = tpu.memref_squeeze %dma_wait3A_141 : memref<1x128x128xf32, #tpu.memory_space<vmem>> -> memref<128x128xf32, #tpu.memory_space<vmem>>
    %dma_wait3A_143 = arith.constant 0 : i32
    %dma_wait3A_144 = tpu.memref_slice %arg7[%add3A_69, %dma_wait3A_143] : memref<10240x128xf32, #tpu.memory_space<vmem_shared>> -> memref<128x128xf32, #tpu.memory_space<vmem_shared>>
    %dma_wait3A_145 = arith.constant 0 : i32
    %dma_wait3A_146 = tpu.memref_slice %arg7[%add3A_69, %dma_wait3A_145] : memref<10240x128xf32, #tpu.memory_space<vmem_shared>> -> memref<128x128xf32, #tpu.memory_space<vmem_shared>>
    %dma_wait3A_147 = arith.constant 0 : i32
    %dma_wait3A_148 = arith.constant 0 : i32
    %dma_wait3A_149 = tpu.memref_slice %arg6[%dma_wait3A_138, %dma_wait3A_147, %dma_wait3A_148] : memref<2x128x128xf32, #tpu.memory_space<vmem>> -> memref<1x128x128xf32, #tpu.memory_space<vmem>>
    %dma_wait3A_150 = tpu.memref_squeeze %dma_wait3A_149 : memref<1x128x128xf32, #tpu.memory_space<vmem>> -> memref<128x128xf32, #tpu.memory_space<vmem>>
    tpu.wait_dma2 semaphore(%arg9 : memref<!tpu.dma_semaphore, #tpu.memory_space<semaphore_mem>>) src(%dma_wait3A_150 : memref<128x128xf32, #tpu.memory_space<vmem>>) dst(%dma_wait3A_146 : memref<128x128xf32, #tpu.memory_space<vmem_shared>>)
    %dma_wait3A_151 = arith.constant 0 : i32
    %dma_wait3A_152 = arith.constant 0 : i32
    %dma_wait3A_153 = arith.constant 0 : i32
    %dma_wait3A_154 = tpu.memref_slice %arg6[%dma_wait3A_151, %dma_wait3A_152, %dma_wait3A_153] : memref<2x128x128xf32, #tpu.memory_space<vmem>> -> memref<1x128x128xf32, #tpu.memory_space<vmem>>
    %dma_wait3A_155 = tpu.memref_squeeze %dma_wait3A_154 : memref<1x128x128xf32, #tpu.memory_space<vmem>> -> memref<128x128xf32, #tpu.memory_space<vmem>>
    %dma_wait3A_156 = arith.constant 0 : i32
    %dma_wait3A_157 = tpu.memref_slice %arg7[%add3A_86, %dma_wait3A_156] : memref<10240x128xf32, #tpu.memory_space<vmem_shared>> -> memref<128x128xf32, #tpu.memory_space<vmem_shared>>
    %dma_wait3A_158 = arith.constant 0 : i32
    %dma_wait3A_159 = tpu.memref_slice %arg7[%add3A_86, %dma_wait3A_158] : memref<10240x128xf32, #tpu.memory_space<vmem_shared>> -> memref<128x128xf32, #tpu.memory_space<vmem_shared>>
    %dma_wait3A_160 = arith.constant 0 : i32
    %dma_wait3A_161 = arith.constant 0 : i32
    %dma_wait3A_162 = tpu.memref_slice %arg6[%dma_wait3A_151, %dma_wait3A_160, %dma_wait3A_161] : memref<2x128x128xf32, #tpu.memory_space<vmem>> -> memref<1x128x128xf32, #tpu.memory_space<vmem>>
    %dma_wait3A_163 = tpu.memref_squeeze %dma_wait3A_162 : memref<1x128x128xf32, #tpu.memory_space<vmem>> -> memref<128x128xf32, #tpu.memory_space<vmem>>
    tpu.wait_dma2 semaphore(%arg9 : memref<!tpu.dma_semaphore, #tpu.memory_space<semaphore_mem>>) src(%dma_wait3A_163 : memref<128x128xf32, #tpu.memory_space<vmem>>) dst(%dma_wait3A_159 : memref<128x128xf32, #tpu.memory_space<vmem_shared>>)
    %add3A_164 = arith.constant 0 : i32
    %add3A_165 = arith.addi %mul3A_2, %add3A_164 : i32
    %dma_start3A_166 = arith.constant 0 : i32
    %dma_start3A_167 = arith.constant 0 : i32
    %dma_start3A_168 = arith.constant 0 : i32
    %dma_start3A_169 = tpu.memref_slice %arg6[%dma_start3A_166, %dma_start3A_167, %dma_start3A_168] : memref<2x128x128xf32, #tpu.memory_space<vmem>> -> memref<1x128x128xf32, #tpu.memory_space<vmem>>
    %dma_start3A_170 = tpu.memref_squeeze %dma_start3A_169 : memref<1x128x128xf32, #tpu.memory_space<vmem>> -> memref<128x128xf32, #tpu.memory_space<vmem>>
    %dma_start3A_171 = arith.constant 0 : i32
    %dma_start3A_172 = tpu.memref_slice %arg2[%add3A_165, %dma_start3A_171] : memref<320000x128xf32, #tpu.memory_space<hbm>> -> memref<128x128xf32, #tpu.memory_space<hbm>>
    %dma_start3A_173 = arith.constant 0 : i32
    %dma_start3A_174 = arith.constant 0 : i32
    %dma_start3A_175 = tpu.memref_slice %arg6[%dma_start3A_166, %dma_start3A_173, %dma_start3A_174] : memref<2x128x128xf32, #tpu.memory_space<vmem>> -> memref<1x128x128xf32, #tpu.memory_space<vmem>>
    %dma_start3A_176 = tpu.memref_squeeze %dma_start3A_175 : memref<1x128x128xf32, #tpu.memory_space<vmem>> -> memref<128x128xf32, #tpu.memory_space<vmem>>
    %dma_start3A_177 = arith.constant 0 : i32
    %dma_start3A_178 = tpu.memref_slice %arg2[%add3A_165, %dma_start3A_177] : memref<320000x128xf32, #tpu.memory_space<hbm>> -> memref<128x128xf32, #tpu.memory_space<hbm>>
    tpu.enqueue_dma source(%dma_start3A_178 : memref<128x128xf32, #tpu.memory_space<hbm>>) target(%dma_start3A_176 : memref<128x128xf32, #tpu.memory_space<vmem>>) target_semaphore(%arg9 : memref<!tpu.dma_semaphore, #tpu.memory_space<semaphore_mem>>)
    %add3A_179 = arith.constant 128 : i32
    %add3A_180 = arith.addi %mul3A_2, %add3A_179 : i32
    %dma_start3A_181 = arith.constant 1 : i32
    %dma_start3A_182 = arith.constant 0 : i32
    %dma_start3A_183 = arith.constant 0 : i32
    %dma_start3A_184 = tpu.memref_slice %arg6[%dma_start3A_181, %dma_start3A_182, %dma_start3A_183] : memref<2x128x128xf32, #tpu.memory_space<vmem>> -> memref<1x128x128xf32, #tpu.memory_space<vmem>>
    %dma_start3A_185 = tpu.memref_squeeze %dma_start3A_184 : memref<1x128x128xf32, #tpu.memory_space<vmem>> -> memref<128x128xf32, #tpu.memory_space<vmem>>
    %dma_start3A_186 = arith.constant 0 : i32
    %dma_start3A_187 = tpu.memref_slice %arg2[%add3A_180, %dma_start3A_186] : memref<320000x128xf32, #tpu.memory_space<hbm>> -> memref<128x128xf32, #tpu.memory_space<hbm>>
    %dma_start3A_188 = arith.constant 0 : i32
    %dma_start3A_189 = arith.constant 0 : i32
    %dma_start3A_190 = tpu.memref_slice %arg6[%dma_start3A_181, %dma_start3A_188, %dma_start3A_189] : memref<2x128x128xf32, #tpu.memory_space<vmem>> -> memref<1x128x128xf32, #tpu.memory_space<vmem>>
    %dma_start3A_191 = tpu.memref_squeeze %dma_start3A_190 : memref<1x128x128xf32, #tpu.memory_space<vmem>> -> memref<128x128xf32, #tpu.memory_space<vmem>>
    %dma_start3A_192 = arith.constant 0 : i32
    %dma_start3A_193 = tpu.memref_slice %arg2[%add3A_180, %dma_start3A_192] : memref<320000x128xf32, #tpu.memory_space<hbm>> -> memref<128x128xf32, #tpu.memory_space<hbm>>
    tpu.enqueue_dma source(%dma_start3A_193 : memref<128x128xf32, #tpu.memory_space<hbm>>) target(%dma_start3A_191 : memref<128x128xf32, #tpu.memory_space<vmem>>) target_semaphore(%arg10 : memref<!tpu.dma_semaphore, #tpu.memory_space<semaphore_mem>>)
    %dma_wait3A_194 = arith.constant 0 : i32
    %dma_wait3A_195 = arith.constant 0 : i32
    %dma_wait3A_196 = tpu.memref_slice %arg3[%add3A, %dma_wait3A_194, %dma_wait3A_195] : memref<32x80x128xi32, #tpu.memory_space<hbm>> -> memref<1x80x128xi32, #tpu.memory_space<hbm>>
    %dma_wait3A_197 = tpu.memref_squeeze %dma_wait3A_196 : memref<1x80x128xi32, #tpu.memory_space<hbm>> -> memref<80x128xi32, #tpu.memory_space<hbm>>
    %dma_wait3A_198 = arith.constant 0 : i32
    %dma_wait3A_199 = arith.constant 0 : i32
    %dma_wait3A_200 = tpu.memref_slice %arg3[%add3A, %dma_wait3A_198, %dma_wait3A_199] : memref<32x80x128xi32, #tpu.memory_space<hbm>> -> memref<1x80x128xi32, #tpu.memory_space<hbm>>
    %dma_wait3A_201 = tpu.memref_squeeze %dma_wait3A_200 : memref<1x80x128xi32, #tpu.memory_space<hbm>> -> memref<80x128xi32, #tpu.memory_space<hbm>>
    tpu.wait_dma2 semaphore(%arg8 : memref<!tpu.dma_semaphore, #tpu.memory_space<semaphore_mem>>) src(%dma_wait3A_201 : memref<80x128xi32, #tpu.memory_space<hbm>>) dst(%arg5 : memref<80x128xi32, #tpu.memory_space<vmem>>)
    %iota3A = tpu.iota {dimensions = array<i32: 0>} : vector<16xi32>
    %get3A = arith.constant 78 : i32
    %get3A_202 = arith.index_cast %get3A : i32 to index
    %get3A_203 = arith.constant 0 : index
    %get3A_204 = tpu.vector_load %arg5[%get3A_202, %get3A_203] {strides = array<i32>} : memref<80x128xi32, #tpu.memory_space<vmem>>, vector<1x16xi32>,
    %get3A_205 = vector.shape_cast %get3A_204 : vector<1x16xi32> to vector<16xi32>
    %swap3A = arith.constant 78 : i32
    %swap3A_206 = arith.index_cast %swap3A : i32 to index
    %swap3A_207 = arith.constant 112 : index
    %swap3A_208 = tpu.vector_load %arg5[%swap3A_206, %swap3A_207] {strides = array<i32>} : memref<80x128xi32, #tpu.memory_space<vmem>>, vector<1x16xi32>,
    %swap3A_209 = vector.shape_cast %swap3A_208 : vector<1x16xi32> to vector<16xi32>
    %swap3A_210 = vector.shape_cast %get3A_205 : vector<16xi32> to vector<1x16xi32>
    tpu.vector_store %arg5[%swap3A_206, %swap3A_207], %swap3A_210 {strides = array<i32>} : memref<80x128xi32, #tpu.memory_space<vmem>>, vector<1x16xi32>,
    %add3A_211 = arith.constant 10000 : i32
    %add3A_212 = vector.broadcast %add3A_211 : i32 to vector<16xi32>
    %add3A_213 = arith.addi %add3A_212, %iota3A : vector<16xi32>
    %add3A_214 = arith.constant 0 : i32
    %add3A_215 = vector.broadcast %add3A_214 : i32 to vector<16xi32>
    %add3A_216 = arith.addi %add3A_213, %add3A_215 : vector<16xi32>
    %swap3A_217 = arith.constant 78 : i32
    %swap3A_218 = arith.index_cast %swap3A_217 : i32 to index
    %swap3A_219 = arith.constant 0 : index
    %swap3A_220 = tpu.vector_load %arg5[%swap3A_218, %swap3A_219] {strides = array<i32>} : memref<80x128xi32, #tpu.memory_space<vmem>>, vector<1x16xi32>,
    %swap3A_221 = vector.shape_cast %swap3A_220 : vector<1x16xi32> to vector<16xi32>
    %swap3A_222 = vector.shape_cast %add3A_216 : vector<16xi32> to vector<1x16xi32>
    tpu.vector_store %arg5[%swap3A_218, %swap3A_219], %swap3A_222 {strides = array<i32>} : memref<80x128xi32, #tpu.memory_space<vmem>>, vector<1x16xi32>,
    %add3A_223 = arith.constant 10000 : i32
    %add3A_224 = vector.broadcast %add3A_223 : i32 to vector<16xi32>
    %add3A_225 = arith.addi %add3A_224, %iota3A : vector<16xi32>
    %add3A_226 = arith.constant 16 : i32
    %add3A_227 = vector.broadcast %add3A_226 : i32 to vector<16xi32>
    %add3A_228 = arith.addi %add3A_225, %add3A_227 : vector<16xi32>
    %swap3A_229 = arith.constant 78 : i32
    %swap3A_230 = arith.index_cast %swap3A_229 : i32 to index
    %swap3A_231 = arith.constant 16 : index
    %swap3A_232 = tpu.vector_load %arg5[%swap3A_230, %swap3A_231] {strides = array<i32>} : memref<80x128xi32, #tpu.memory_space<vmem>>, vector<1x16xi32>,
    %swap3A_233 = vector.shape_cast %swap3A_232 : vector<1x16xi32> to vector<16xi32>
    %swap3A_234 = vector.shape_cast %add3A_228 : vector<16xi32> to vector<1x16xi32>
    tpu.vector_store %arg5[%swap3A_230, %swap3A_231], %swap3A_234 {strides = array<i32>} : memref<80x128xi32, #tpu.memory_space<vmem>>, vector<1x16xi32>,
    %add3A_235 = arith.constant 10000 : i32
    %add3A_236 = vector.broadcast %add3A_235 : i32 to vector<16xi32>
    %add3A_237 = arith.addi %add3A_236, %iota3A : vector<16xi32>
    %add3A_238 = arith.constant 32 : i32
    %add3A_239 = vector.broadcast %add3A_238 : i32 to vector<16xi32>
    %add3A_240 = arith.addi %add3A_237, %add3A_239 : vector<16xi32>
    %swap3A_241 = arith.constant 78 : i32
    %swap3A_242 = arith.index_cast %swap3A_241 : i32 to index
    %swap3A_243 = arith.constant 32 : index
    %swap3A_244 = tpu.vector_load %arg5[%swap3A_242, %swap3A_243] {strides = array<i32>} : memref<80x128xi32, #tpu.memory_space<vmem>>, vector<1x16xi32>,
    %swap3A_245 = vector.shape_cast %swap3A_244 : vector<1x16xi32> to vector<16xi32>
    %swap3A_246 = vector.shape_cast %add3A_240 : vector<16xi32> to vector<1x16xi32>
    tpu.vector_store %arg5[%swap3A_242, %swap3A_243], %swap3A_246 {strides = array<i32>} : memref<80x128xi32, #tpu.memory_space<vmem>>, vector<1x16xi32>,
    %add3A_247 = arith.constant 10000 : i32
    %add3A_248 = vector.broadcast %add3A_247 : i32 to vector<16xi32>
    %add3A_249 = arith.addi %add3A_248, %iota3A : vector<16xi32>
    %add3A_250 = arith.constant 48 : i32
    %add3A_251 = vector.broadcast %add3A_250 : i32 to vector<16xi32>
    %add3A_252 = arith.addi %add3A_249, %add3A_251 : vector<16xi32>
    %swap3A_253 = arith.constant 78 : i32
    %swap3A_254 = arith.index_cast %swap3A_253 : i32 to index
    %swap3A_255 = arith.constant 48 : index
    %swap3A_256 = tpu.vector_load %arg5[%swap3A_254, %swap3A_255] {strides = array<i32>} : memref<80x128xi32, #tpu.memory_space<vmem>>, vector<1x16xi32>,
    %swap3A_257 = vector.shape_cast %swap3A_256 : vector<1x16xi32> to vector<16xi32>
    %swap3A_258 = vector.shape_cast %add3A_252 : vector<16xi32> to vector<1x16xi32>
    tpu.vector_store %arg5[%swap3A_254, %swap3A_255], %swap3A_258 {strides = array<i32>} : memref<80x128xi32, #tpu.memory_space<vmem>>, vector<1x16xi32>,
    %add3A_259 = arith.constant 10000 : i32
    %add3A_260 = vector.broadcast %add3A_259 : i32 to vector<16xi32>
    %add3A_261 = arith.addi %add3A_260, %iota3A : vector<16xi32>
    %add3A_262 = arith.constant 64 : i32
    %add3A_263 = vector.broadcast %add3A_262 : i32 to vector<16xi32>
    %add3A_264 = arith.addi %add3A_261, %add3A_263 : vector<16xi32>
    %swap3A_265 = arith.constant 78 : i32
    %swap3A_266 = arith.index_cast %swap3A_265 : i32 to index
    %swap3A_267 = arith.constant 64 : index
    %swap3A_268 = tpu.vector_load %arg5[%swap3A_266, %swap3A_267] {strides = array<i32>} : memref<80x128xi32, #tpu.memory_space<vmem>>, vector<1x16xi32>,
    %swap3A_269 = vector.shape_cast %swap3A_268 : vector<1x16xi32> to vector<16xi32>
    %swap3A_270 = vector.shape_cast %add3A_264 : vector<16xi32> to vector<1x16xi32>
    tpu.vector_store %arg5[%swap3A_266, %swap3A_267], %swap3A_270 {strides = array<i32>} : memref<80x128xi32, #tpu.memory_space<vmem>>, vector<1x16xi32>,
    %add3A_271 = arith.constant 10000 : i32
    %add3A_272 = vector.broadcast %add3A_271 : i32 to vector<16xi32>
    %add3A_273 = arith.addi %add3A_272, %iota3A : vector<16xi32>
    %add3A_274 = arith.constant 80 : i32
    %add3A_275 = vector.broadcast %add3A_274 : i32 to vector<16xi32>
    %add3A_276 = arith.addi %add3A_273, %add3A_275 : vector<16xi32>
    %swap3A_277 = arith.constant 78 : i32
    %swap3A_278 = arith.index_cast %swap3A_277 : i32 to index
    %swap3A_279 = arith.constant 80 : index
    %swap3A_280 = tpu.vector_load %arg5[%swap3A_278, %swap3A_279] {strides = array<i32>} : memref<80x128xi32, #tpu.memory_space<vmem>>, vector<1x16xi32>,
    %swap3A_281 = vector.shape_cast %swap3A_280 : vector<1x16xi32> to vector<16xi32>
    %swap3A_282 = vector.shape_cast %add3A_276 : vector<16xi32> to vector<1x16xi32>
    tpu.vector_store %arg5[%swap3A_278, %swap3A_279], %swap3A_282 {strides = array<i32>} : memref<80x128xi32, #tpu.memory_space<vmem>>, vector<1x16xi32>,
    %add3A_283 = arith.constant 10000 : i32
    %add3A_284 = vector.broadcast %add3A_283 : i32 to vector<16xi32>
    %add3A_285 = arith.addi %add3A_284, %iota3A : vector<16xi32>
    %add3A_286 = arith.constant 96 : i32
    %add3A_287 = vector.broadcast %add3A_286 : i32 to vector<16xi32>
    %add3A_288 = arith.addi %add3A_285, %add3A_287 : vector<16xi32>
    %swap3A_289 = arith.constant 78 : i32
    %swap3A_290 = arith.index_cast %swap3A_289 : i32 to index
    %swap3A_291 = arith.constant 96 : index
    %swap3A_292 = tpu.vector_load %arg5[%swap3A_290, %swap3A_291] {strides = array<i32>} : memref<80x128xi32, #tpu.memory_space<vmem>>, vector<1x16xi32>,
    %swap3A_293 = vector.shape_cast %swap3A_292 : vector<1x16xi32> to vector<16xi32>
    %swap3A_294 = vector.shape_cast %add3A_288 : vector<16xi32> to vector<1x16xi32>
    tpu.vector_store %arg5[%swap3A_290, %swap3A_291], %swap3A_294 {strides = array<i32>} : memref<80x128xi32, #tpu.memory_space<vmem>>, vector<1x16xi32>,
    %add3A_295 = arith.constant 10000 : i32
    %add3A_296 = vector.broadcast %add3A_295 : i32 to vector<16xi32>
    %add3A_297 = arith.addi %add3A_296, %iota3A : vector<16xi32>
    %add3A_298 = arith.constant 112 : i32
    %add3A_299 = vector.broadcast %add3A_298 : i32 to vector<16xi32>
    %add3A_300 = arith.addi %add3A_297, %add3A_299 : vector<16xi32>
    %add3A_301 = arith.constant 0 : i32
    %add3A_302 = vector.broadcast %add3A_301 : i32 to vector<16xi32>
    %add3A_303 = arith.addi %add3A_300, %add3A_302 : vector<16xi32>
    %swap3A_304 = arith.constant 79 : i32
    %swap3A_305 = arith.index_cast %swap3A_304 : i32 to index
    %swap3A_306 = arith.constant 0 : index
    %swap3A_307 = tpu.vector_load %arg5[%swap3A_305, %swap3A_306] {strides = array<i32>} : memref<80x128xi32, #tpu.memory_space<vmem>>, vector<1x16xi32>,
    %swap3A_308 = vector.shape_cast %swap3A_307 : vector<1x16xi32> to vector<16xi32>
    %swap3A_309 = vector.shape_cast %add3A_303 : vector<16xi32> to vector<1x16xi32>
    tpu.vector_store %arg5[%swap3A_305, %swap3A_306], %swap3A_309 {strides = array<i32>} : memref<80x128xi32, #tpu.memory_space<vmem>>, vector<1x16xi32>,
    %add3A_310 = arith.constant 10000 : i32
    %add3A_311 = vector.broadcast %add3A_310 : i32 to vector<16xi32>
    %add3A_312 = arith.addi %add3A_311, %iota3A : vector<16xi32>
    %add3A_313 = arith.constant 112 : i32
    %add3A_314 = vector.broadcast %add3A_313 : i32 to vector<16xi32>
    %add3A_315 = arith.addi %add3A_312, %add3A_314 : vector<16xi32>
    %add3A_316 = arith.constant 16 : i32
    %add3A_317 = vector.broadcast %add3A_316 : i32 to vector<16xi32>
    %add3A_318 = arith.addi %add3A_315, %add3A_317 : vector<16xi32>
    %swap3A_319 = arith.constant 79 : i32
    %swap3A_320 = arith.index_cast %swap3A_319 : i32 to index
    %swap3A_321 = arith.constant 16 : index
    %swap3A_322 = tpu.vector_load %arg5[%swap3A_320, %swap3A_321] {strides = array<i32>} : memref<80x128xi32, #tpu.memory_space<vmem>>, vector<1x16xi32>,
    %swap3A_323 = vector.shape_cast %swap3A_322 : vector<1x16xi32> to vector<16xi32>
    %swap3A_324 = vector.shape_cast %add3A_318 : vector<16xi32> to vector<1x16xi32>
    tpu.vector_store %arg5[%swap3A_320, %swap3A_321], %swap3A_324 {strides = array<i32>} : memref<80x128xi32, #tpu.memory_space<vmem>>, vector<1x16xi32>,
    %add3A_325 = arith.constant 10000 : i32
    %add3A_326 = vector.broadcast %add3A_325 : i32 to vector<16xi32>
    %add3A_327 = arith.addi %add3A_326, %iota3A : vector<16xi32>
    %add3A_328 = arith.constant 112 : i32
    %add3A_329 = vector.broadcast %add3A_328 : i32 to vector<16xi32>
    %add3A_330 = arith.addi %add3A_327, %add3A_329 : vector<16xi32>
    %add3A_331 = arith.constant 32 : i32
    %add3A_332 = vector.broadcast %add3A_331 : i32 to vector<16xi32>
    %add3A_333 = arith.addi %add3A_330, %add3A_332 : vector<16xi32>
    %swap3A_334 = arith.constant 79 : i32
    %swap3A_335 = arith.index_cast %swap3A_334 : i32 to index
    %swap3A_336 = arith.constant 32 : index
    %swap3A_337 = tpu.vector_load %arg5[%swap3A_335, %swap3A_336] {strides = array<i32>} : memref<80x128xi32, #tpu.memory_space<vmem>>, vector<1x16xi32>,
    %swap3A_338 = vector.shape_cast %swap3A_337 : vector<1x16xi32> to vector<16xi32>
    %swap3A_339 = vector.shape_cast %add3A_333 : vector<16xi32> to vector<1x16xi32>
    tpu.vector_store %arg5[%swap3A_335, %swap3A_336], %swap3A_339 {strides = array<i32>} : memref<80x128xi32, #tpu.memory_space<vmem>>, vector<1x16xi32>,
    %add3A_340 = arith.constant 10000 : i32
    %add3A_341 = vector.broadcast %add3A_340 : i32 to vector<16xi32>
    %add3A_342 = arith.addi %add3A_341, %iota3A : vector<16xi32>
    %add3A_343 = arith.constant 112 : i32
    %add3A_344 = vector.broadcast %add3A_343 : i32 to vector<16xi32>
    %add3A_345 = arith.addi %add3A_342, %add3A_344 : vector<16xi32>
    %add3A_346 = arith.constant 48 : i32
    %add3A_347 = vector.broadcast %add3A_346 : i32 to vector<16xi32>
    %add3A_348 = arith.addi %add3A_345, %add3A_347 : vector<16xi32>
    %swap3A_349 = arith.constant 79 : i32
    %swap3A_350 = arith.index_cast %swap3A_349 : i32 to index
    %swap3A_351 = arith.constant 48 : index
    %swap3A_352 = tpu.vector_load %arg5[%swap3A_350, %swap3A_351] {strides = array<i32>} : memref<80x128xi32, #tpu.memory_space<vmem>>, vector<1x16xi32>,
    %swap3A_353 = vector.shape_cast %swap3A_352 : vector<1x16xi32> to vector<16xi32>
    %swap3A_354 = vector.shape_cast %add3A_348 : vector<16xi32> to vector<1x16xi32>
    tpu.vector_store %arg5[%swap3A_350, %swap3A_351], %swap3A_354 {strides = array<i32>} : memref<80x128xi32, #tpu.memory_space<vmem>>, vector<1x16xi32>,
    %add3A_355 = arith.constant 10000 : i32
    %add3A_356 = vector.broadcast %add3A_355 : i32 to vector<16xi32>
    %add3A_357 = arith.addi %add3A_356, %iota3A : vector<16xi32>
    %add3A_358 = arith.constant 112 : i32
    %add3A_359 = vector.broadcast %add3A_358 : i32 to vector<16xi32>
    %add3A_360 = arith.addi %add3A_357, %add3A_359 : vector<16xi32>
    %add3A_361 = arith.constant 64 : i32
    %add3A_362 = vector.broadcast %add3A_361 : i32 to vector<16xi32>
    %add3A_363 = arith.addi %add3A_360, %add3A_362 : vector<16xi32>
    %swap3A_364 = arith.constant 79 : i32
    %swap3A_365 = arith.index_cast %swap3A_364 : i32 to index
    %swap3A_366 = arith.constant 64 : index
    %swap3A_367 = tpu.vector_load %arg5[%swap3A_365, %swap3A_366] {strides = array<i32>} : memref<80x128xi32, #tpu.memory_space<vmem>>, vector<1x16xi32>,
    %swap3A_368 = vector.shape_cast %swap3A_367 : vector<1x16xi32> to vector<16xi32>
    %swap3A_369 = vector.shape_cast %add3A_363 : vector<16xi32> to vector<1x16xi32>
    tpu.vector_store %arg5[%swap3A_365, %swap3A_366], %swap3A_369 {strides = array<i32>} : memref<80x128xi32, #tpu.memory_space<vmem>>, vector<1x16xi32>,
    %add3A_370 = arith.constant 10000 : i32
    %add3A_371 = vector.broadcast %add3A_370 : i32 to vector<16xi32>
    %add3A_372 = arith.addi %add3A_371, %iota3A : vector<16xi32>
    %add3A_373 = arith.constant 112 : i32
    %add3A_374 = vector.broadcast %add3A_373 : i32 to vector<16xi32>
    %add3A_375 = arith.addi %add3A_372, %add3A_374 : vector<16xi32>
    %add3A_376 = arith.constant 80 : i32
    %add3A_377 = vector.broadcast %add3A_376 : i32 to vector<16xi32>
    %add3A_378 = arith.addi %add3A_375, %add3A_377 : vector<16xi32>
    %swap3A_379 = arith.constant 79 : i32
    %swap3A_380 = arith.index_cast %swap3A_379 : i32 to index
    %swap3A_381 = arith.constant 80 : index
    %swap3A_382 = tpu.vector_load %arg5[%swap3A_380, %swap3A_381] {strides = array<i32>} : memref<80x128xi32, #tpu.memory_space<vmem>>, vector<1x16xi32>,
    %swap3A_383 = vector.shape_cast %swap3A_382 : vector<1x16xi32> to vector<16xi32>
    %swap3A_384 = vector.shape_cast %add3A_378 : vector<16xi32> to vector<1x16xi32>
    tpu.vector_store %arg5[%swap3A_380, %swap3A_381], %swap3A_384 {strides = array<i32>} : memref<80x128xi32, #tpu.memory_space<vmem>>, vector<1x16xi32>,
    %add3A_385 = arith.constant 10000 : i32
    %add3A_386 = vector.broadcast %add3A_385 : i32 to vector<16xi32>
    %add3A_387 = arith.addi %add3A_386, %iota3A : vector<16xi32>
    %add3A_388 = arith.constant 112 : i32
    %add3A_389 = vector.broadcast %add3A_388 : i32 to vector<16xi32>
    %add3A_390 = arith.addi %add3A_387, %add3A_389 : vector<16xi32>
    %add3A_391 = arith.constant 96 : i32
    %add3A_392 = vector.broadcast %add3A_391 : i32 to vector<16xi32>
    %add3A_393 = arith.addi %add3A_390, %add3A_392 : vector<16xi32>
    %swap3A_394 = arith.constant 79 : i32
    %swap3A_395 = arith.index_cast %swap3A_394 : i32 to index
    %swap3A_396 = arith.constant 96 : index
    %swap3A_397 = tpu.vector_load %arg5[%swap3A_395, %swap3A_396] {strides = array<i32>} : memref<80x128xi32, #tpu.memory_space<vmem>>, vector<1x16xi32>,
    %swap3A_398 = vector.shape_cast %swap3A_397 : vector<1x16xi32> to vector<16xi32>
    %swap3A_399 = vector.shape_cast %add3A_393 : vector<16xi32> to vector<1x16xi32>
    tpu.vector_store %arg5[%swap3A_395, %swap3A_396], %swap3A_399 {strides = array<i32>} : memref<80x128xi32, #tpu.memory_space<vmem>>, vector<1x16xi32>,
    %add3A_400 = arith.constant 10000 : i32
    %add3A_401 = vector.broadcast %add3A_400 : i32 to vector<16xi32>
    %add3A_402 = arith.addi %add3A_401, %iota3A : vector<16xi32>
    %add3A_403 = arith.constant 112 : i32
    %add3A_404 = vector.broadcast %add3A_403 : i32 to vector<16xi32>
    %add3A_405 = arith.addi %add3A_402, %add3A_404 : vector<16xi32>
    %add3A_406 = arith.constant 112 : i32
    %add3A_407 = vector.broadcast %add3A_406 : i32 to vector<16xi32>
    %add3A_408 = arith.addi %add3A_405, %add3A_407 : vector<16xi32>
    %swap3A_409 = arith.constant 79 : i32
    %swap3A_410 = arith.index_cast %swap3A_409 : i32 to index
    %swap3A_411 = arith.constant 112 : index
    %swap3A_412 = tpu.vector_load %arg5[%swap3A_410, %swap3A_411] {strides = array<i32>} : memref<80x128xi32, #tpu.memory_space<vmem>>, vector<1x16xi32>,
    %swap3A_413 = vector.shape_cast %swap3A_412 : vector<1x16xi32> to vector<16xi32>
    %swap3A_414 = vector.shape_cast %add3A_408 : vector<16xi32> to vector<1x16xi32>
    tpu.vector_store %arg5[%swap3A_410, %swap3A_411], %swap3A_414 {strides = array<i32>} : memref<80x128xi32, #tpu.memory_space<vmem>>, vector<1x16xi32>,
    %barrier3A = arith.constant 0 : index
    tpu.barrier barrier_id(%barrier3A)
    %scan3A_415 = arith.constant 0 : i32
    %scan3A_416 = arith.constant 0 : i32
    %scan3A_417 = arith.constant 1 : i32
    %scan3A_418 = arith.constant 0 : i32
    %scan3A_419 = arith.constant 39 : i32
    %scan3A_420 = arith.addi %scan3A_418, %scan3A_419 : i32
    %scan3A_421 = arith.constant 1 : i32
    scf.for %scan3A_455 = %scan3A_418 to %scan3A_420 step %scan3A_421  : i32 {
      %mul3A_456 = arith.constant 2 : i32
      %mul3A_457 = arith.muli %scan3A_455, %mul3A_456 : i32
      %add3A_458 = arith.constant 0 : i32
      %add3A_459 = arith.addi %mul3A_457, %add3A_458 : i32
      %dma_wait3A_460 = arith.constant 0 : i32
      %dma_wait3A_461 = arith.constant 0 : i32
      %dma_wait3A_462 = tpu.memref_slice %arg6[%scan3A_416, %dma_wait3A_460, %dma_wait3A_461] : memref<2x128x128xf32, #tpu.memory_space<vmem>> -> memref<1x128x128xf32, #tpu.memory_space<vmem>>
      %dma_wait3A_463 = tpu.memref_squeeze %dma_wait3A_462 : memref<1x128x128xf32, #tpu.memory_space<vmem>> -> memref<128x128xf32, #tpu.memory_space<vmem>>
      %dma_wait3A_464 = arith.constant 0 : i32
      %dma_wait3A_465 = tpu.memref_slice %arg2[%add3A_165, %dma_wait3A_464] : memref<320000x128xf32, #tpu.memory_space<hbm>> -> memref<128x128xf32, #tpu.memory_space<hbm>>
      %dma_wait3A_466 = arith.constant 0 : i32
      %dma_wait3A_467 = arith.constant 0 : i32
      %dma_wait3A_468 = tpu.memref_slice %arg6[%scan3A_416, %dma_wait3A_466, %dma_wait3A_467] : memref<2x128x128xf32, #tpu.memory_space<vmem>> -> memref<1x128x128xf32, #tpu.memory_space<vmem>>
      %dma_wait3A_469 = tpu.memref_squeeze %dma_wait3A_468 : memref<1x128x128xf32, #tpu.memory_space<vmem>> -> memref<128x128xf32, #tpu.memory_space<vmem>>
      %dma_wait3A_470 = arith.constant 0 : i32
      %dma_wait3A_471 = tpu.memref_slice %arg2[%add3A_165, %dma_wait3A_470] : memref<320000x128xf32, #tpu.memory_space<hbm>> -> memref<128x128xf32, #tpu.memory_space<hbm>>
      tpu.wait_dma2 semaphore(%arg9 : memref<!tpu.dma_semaphore, #tpu.memory_space<semaphore_mem>>) src(%dma_wait3A_471 : memref<128x128xf32, #tpu.memory_space<hbm>>) dst(%dma_wait3A_469 : memref<128x128xf32, #tpu.memory_space<vmem>>)
      %run_scoped3A_472 = arith.constant 0 : i32
      "tpu.region"() ({
        %run_scoped3A_538 = tpu.sem_alloc : memref<!tpu.dma_semaphore, #tpu.memory_space<semaphore_mem>>
        %dma_start3A_539 = arith.constant 0 : i32
        %dma_start3A_540 = arith.constant 0 : i32
        %dma_start3A_541 = tpu.memref_slice %arg6[%run_scoped3A_472, %dma_start3A_539, %dma_start3A_540] : memref<2x128x128xf32, #tpu.memory_space<vmem>> -> memref<1x128x128xf32, #tpu.memory_space<vmem>>
        %dma_start3A_542 = tpu.memref_squeeze %dma_start3A_541 : memref<1x128x128xf32, #tpu.memory_space<vmem>> -> memref<128x128xf32, #tpu.memory_space<vmem>>
        %dma_start3A_543 = arith.constant 0 : i32
        %dma_start3A_544 = tpu.memref_slice %arg5[%add3A_459, %dma_start3A_543] : memref<80x128xi32, #tpu.memory_space<vmem>> -> memref<1x128xi32, #tpu.memory_space<vmem>>
        %dma_start3A_545 = tpu.memref_squeeze %dma_start3A_544 : memref<1x128xi32, #tpu.memory_space<vmem>> -> memref<128xi32, #tpu.memory_space<vmem>>
        %dma_start3A_546 = arith.constant 0 : i32
        %dma_start3A_547 = arith.constant 0 : i32
        %dma_start3A_548 = tpu.memref_slice %arg7[%dma_start3A_546, %dma_start3A_547] : memref<10240x128xf32, #tpu.memory_space<vmem_shared>> -> memref<10240x128xf32, #tpu.memory_space<vmem_shared>>
        tpu.enqueue_indirect_dma source(%dma_start3A_542 : memref<128x128xf32, #tpu.memory_space<vmem>>) target(%dma_start3A_548 : memref<10240x128xf32, #tpu.memory_space<vmem_shared>>) offsets(%dma_start3A_545 : memref<128xi32, #tpu.memory_space<vmem>>) semaphore(%run_scoped3A_538 : memref<!tpu.dma_semaphore, #tpu.memory_space<semaphore_mem>>) {add = true}
        %dma_wait3A_549 = arith.constant 0 : i32
        %dma_wait3A_550 = arith.constant 0 : i32
        %dma_wait3A_551 = tpu.memref_slice %arg6[%run_scoped3A_472, %dma_wait3A_549, %dma_wait3A_550] : memref<2x128x128xf32, #tpu.memory_space<vmem>> -> memref<1x128x128xf32, #tpu.memory_space<vmem>>
        %dma_wait3A_552 = tpu.memref_squeeze %dma_wait3A_551 : memref<1x128x128xf32, #tpu.memory_space<vmem>> -> memref<128x128xf32, #tpu.memory_space<vmem>>
        %dma_wait3A_553 = arith.constant 0 : i32
        %dma_wait3A_554 = tpu.memref_slice %arg5[%add3A_459, %dma_wait3A_553] : memref<80x128xi32, #tpu.memory_space<vmem>> -> memref<1x128xi32, #tpu.memory_space<vmem>>
        %dma_wait3A_555 = tpu.memref_squeeze %dma_wait3A_554 : memref<1x128xi32, #tpu.memory_space<vmem>> -> memref<128xi32, #tpu.memory_space<vmem>>
        %dma_wait3A_556 = arith.constant 0 : i32
        %dma_wait3A_557 = arith.constant 0 : i32
        %dma_wait3A_558 = tpu.memref_slice %arg7[%dma_wait3A_556, %dma_wait3A_557] : memref<10240x128xf32, #tpu.memory_space<vmem_shared>> -> memref<10240x128xf32, #tpu.memory_space<vmem_shared>>
        tpu.wait_indirect_dma semaphore(%run_scoped3A_538 : memref<!tpu.dma_semaphore, #tpu.memory_space<semaphore_mem>>) src(%dma_wait3A_552 : memref<128x128xf32, #tpu.memory_space<vmem>>) dst(%dma_wait3A_558 : memref<10240x128xf32, #tpu.memory_space<vmem_shared>>)
        tpu.yield
      }) : () -> ()
      %add3A_473 = arith.constant 2 : i32
      %add3A_474 = arith.addi %add3A_459, %add3A_473 : i32
      %lt3A = arith.constant 78 : i32
      %lt3A_475 = arith.cmpi slt, %add3A_474, %lt3A : i32
      %mul3A_476 = arith.constant 128 : i32
      %mul3A_477 = arith.muli %add3A_474, %mul3A_476 : i32
      %eq3A = arith.constant 78 : i32
      %eq3A_478 = arith.cmpi eq, %add3A_474, %eq3A : i32
      %jit3A = arith.constant 9872 : i32
      %jit3A_479 = arith.constant 0 : i32
      %select_n3A = arith.select %eq3A_478, %jit3A, %jit3A_479 : i32
      %select_n3A_480 = arith.select %lt3A_475, %mul3A_477, %select_n3A : i32
      %add3A_481 = arith.addi %mul3A_2, %select_n3A_480 : i32
      %dma_start3A_482 = arith.constant 0 : i32
      %dma_start3A_483 = arith.constant 0 : i32
      %dma_start3A_484 = arith.constant 0 : i32
      %dma_start3A_485 = tpu.memref_slice %arg6[%dma_start3A_482, %dma_start3A_483, %dma_start3A_484] : memref<2x128x128xf32, #tpu.memory_space<vmem>> -> memref<1x128x128xf32, #tpu.memory_space<vmem>>
      %dma_start3A_486 = tpu.memref_squeeze %dma_start3A_485 : memref<1x128x128xf32, #tpu.memory_space<vmem>> -> memref<128x128xf32, #tpu.memory_space<vmem>>
      %dma_start3A_487 = arith.constant 0 : i32
      %dma_start3A_488 = tpu.memref_slice %arg2[%add3A_481, %dma_start3A_487] : memref<320000x128xf32, #tpu.memory_space<hbm>> -> memref<128x128xf32, #tpu.memory_space<hbm>>
      %dma_start3A_489 = arith.constant 0 : i32
      %dma_start3A_490 = arith.constant 0 : i32
      %dma_start3A_491 = tpu.memref_slice %arg6[%dma_start3A_482, %dma_start3A_489, %dma_start3A_490] : memref<2x128x128xf32, #tpu.memory_space<vmem>> -> memref<1x128x128xf32, #tpu.memory_space<vmem>>
      %dma_start3A_492 = tpu.memref_squeeze %dma_start3A_491 : memref<1x128x128xf32, #tpu.memory_space<vmem>> -> memref<128x128xf32, #tpu.memory_space<vmem>>
      %dma_start3A_493 = arith.constant 0 : i32
      %dma_start3A_494 = tpu.memref_slice %arg2[%add3A_481, %dma_start3A_493] : memref<320000x128xf32, #tpu.memory_space<hbm>> -> memref<128x128xf32, #tpu.memory_space<hbm>>
      tpu.enqueue_dma source(%dma_start3A_494 : memref<128x128xf32, #tpu.memory_space<hbm>>) target(%dma_start3A_492 : memref<128x128xf32, #tpu.memory_space<vmem>>) target_semaphore(%arg9 : memref<!tpu.dma_semaphore, #tpu.memory_space<semaphore_mem>>)
      %mul3A_495 = arith.constant 2 : i32
      %mul3A_496 = arith.muli %scan3A_455, %mul3A_495 : i32
      %add3A_497 = arith.constant 1 : i32
      %add3A_498 = arith.addi %mul3A_496, %add3A_497 : i32
      %dma_wait3A_499 = arith.constant 0 : i32
      %dma_wait3A_500 = arith.constant 0 : i32
      %dma_wait3A_501 = tpu.memref_slice %arg6[%scan3A_417, %dma_wait3A_499, %dma_wait3A_500] : memref<2x128x128xf32, #tpu.memory_space<vmem>> -> memref<1x128x128xf32, #tpu.memory_space<vmem>>
      %dma_wait3A_502 = tpu.memref_squeeze %dma_wait3A_501 : memref<1x128x128xf32, #tpu.memory_space<vmem>> -> memref<128x128xf32, #tpu.memory_space<vmem>>
      %dma_wait3A_503 = arith.constant 0 : i32
      %dma_wait3A_504 = tpu.memref_slice %arg2[%add3A_180, %dma_wait3A_503] : memref<320000x128xf32, #tpu.memory_space<hbm>> -> memref<128x128xf32, #tpu.memory_space<hbm>>
      %dma_wait3A_505 = arith.constant 0 : i32
      %dma_wait3A_506 = arith.constant 0 : i32
      %dma_wait3A_507 = tpu.memref_slice %arg6[%scan3A_417, %dma_wait3A_505, %dma_wait3A_506] : memref<2x128x128xf32, #tpu.memory_space<vmem>> -> memref<1x128x128xf32, #tpu.memory_space<vmem>>
      %dma_wait3A_508 = tpu.memref_squeeze %dma_wait3A_507 : memref<1x128x128xf32, #tpu.memory_space<vmem>> -> memref<128x128xf32, #tpu.memory_space<vmem>>
      %dma_wait3A_509 = arith.constant 0 : i32
      %dma_wait3A_510 = tpu.memref_slice %arg2[%add3A_180, %dma_wait3A_509] : memref<320000x128xf32, #tpu.memory_space<hbm>> -> memref<128x128xf32, #tpu.memory_space<hbm>>
      tpu.wait_dma2 semaphore(%arg10 : memref<!tpu.dma_semaphore, #tpu.memory_space<semaphore_mem>>) src(%dma_wait3A_510 : memref<128x128xf32, #tpu.memory_space<hbm>>) dst(%dma_wait3A_508 : memref<128x128xf32, #tpu.memory_space<vmem>>)
      %run_scoped3A_511 = arith.constant 1 : i32
      "tpu.region"() ({
        %run_scoped3A_538 = tpu.sem_alloc : memref<!tpu.dma_semaphore, #tpu.memory_space<semaphore_mem>>
        %dma_start3A_539 = arith.constant 0 : i32
        %dma_start3A_540 = arith.constant 0 : i32
        %dma_start3A_541 = tpu.memref_slice %arg6[%run_scoped3A_511, %dma_start3A_539, %dma_start3A_540] : memref<2x128x128xf32, #tpu.memory_space<vmem>> -> memref<1x128x128xf32, #tpu.memory_space<vmem>>
        %dma_start3A_542 = tpu.memref_squeeze %dma_start3A_541 : memref<1x128x128xf32, #tpu.memory_space<vmem>> -> memref<128x128xf32, #tpu.memory_space<vmem>>
        %dma_start3A_543 = arith.constant 0 : i32
        %dma_start3A_544 = tpu.memref_slice %arg5[%add3A_498, %dma_start3A_543] : memref<80x128xi32, #tpu.memory_space<vmem>> -> memref<1x128xi32, #tpu.memory_space<vmem>>
        %dma_start3A_545 = tpu.memref_squeeze %dma_start3A_544 : memref<1x128xi32, #tpu.memory_space<vmem>> -> memref<128xi32, #tpu.memory_space<vmem>>
        %dma_start3A_546 = arith.constant 0 : i32
        %dma_start3A_547 = arith.constant 0 : i32
        %dma_start3A_548 = tpu.memref_slice %arg7[%dma_start3A_546, %dma_start3A_547] : memref<10240x128xf32, #tpu.memory_space<vmem_shared>> -> memref<10240x128xf32, #tpu.memory_space<vmem_shared>>
        tpu.enqueue_indirect_dma source(%dma_start3A_542 : memref<128x128xf32, #tpu.memory_space<vmem>>) target(%dma_start3A_548 : memref<10240x128xf32, #tpu.memory_space<vmem_shared>>) offsets(%dma_start3A_545 : memref<128xi32, #tpu.memory_space<vmem>>) semaphore(%run_scoped3A_538 : memref<!tpu.dma_semaphore, #tpu.memory_space<semaphore_mem>>) {add = true}
        %dma_wait3A_549 = arith.constant 0 : i32
        %dma_wait3A_550 = arith.constant 0 : i32
        %dma_wait3A_551 = tpu.memref_slice %arg6[%run_scoped3A_511, %dma_wait3A_549, %dma_wait3A_550] : memref<2x128x128xf32, #tpu.memory_space<vmem>> -> memref<1x128x128xf32, #tpu.memory_space<vmem>>
        %dma_wait3A_552 = tpu.memref_squeeze %dma_wait3A_551 : memref<1x128x128xf32, #tpu.memory_space<vmem>> -> memref<128x128xf32, #tpu.memory_space<vmem>>
        %dma_wait3A_553 = arith.constant 0 : i32
        %dma_wait3A_554 = tpu.memref_slice %arg5[%add3A_498, %dma_wait3A_553] : memref<80x128xi32, #tpu.memory_space<vmem>> -> memref<1x128xi32, #tpu.memory_space<vmem>>
        %dma_wait3A_555 = tpu.memref_squeeze %dma_wait3A_554 : memref<1x128xi32, #tpu.memory_space<vmem>> -> memref<128xi32, #tpu.memory_space<vmem>>
        %dma_wait3A_556 = arith.constant 0 : i32
        %dma_wait3A_557 = arith.constant 0 : i32
        %dma_wait3A_558 = tpu.memref_slice %arg7[%dma_wait3A_556, %dma_wait3A_557] : memref<10240x128xf32, #tpu.memory_space<vmem_shared>> -> memref<10240x128xf32, #tpu.memory_space<vmem_shared>>
        tpu.wait_indirect_dma semaphore(%run_scoped3A_538 : memref<!tpu.dma_semaphore, #tpu.memory_space<semaphore_mem>>) src(%dma_wait3A_552 : memref<128x128xf32, #tpu.memory_space<vmem>>) dst(%dma_wait3A_558 : memref<10240x128xf32, #tpu.memory_space<vmem_shared>>)
        tpu.yield
      }) : () -> ()
      %add3A_512 = arith.constant 2 : i32
      %add3A_513 = arith.addi %add3A_498, %add3A_512 : i32
      %lt3A_514 = arith.constant 78 : i32
      %lt3A_515 = arith.cmpi slt, %add3A_513, %lt3A_514 : i32
      %mul3A_516 = arith.constant 128 : i32
      %mul3A_517 = arith.muli %add3A_513, %mul3A_516 : i32
      %eq3A_518 = arith.constant 78 : i32
      %eq3A_519 = arith.cmpi eq, %add3A_513, %eq3A_518 : i32
      %jit3A_520 = arith.constant 9872 : i32
      %jit3A_521 = arith.constant 0 : i32
      %select_n3A_522 = arith.select %eq3A_519, %jit3A_520, %jit3A_521 : i32
      %select_n3A_523 = arith.select %lt3A_515, %mul3A_517, %select_n3A_522 : i32
      %add3A_524 = arith.addi %mul3A_2, %select_n3A_523 : i32
      %dma_start3A_525 = arith.constant 1 : i32
      %dma_start3A_526 = arith.constant 0 : i32
      %dma_start3A_527 = arith.constant 0 : i32
      %dma_start3A_528 = tpu.memref_slice %arg6[%dma_start3A_525, %dma_start3A_526, %dma_start3A_527] : memref<2x128x128xf32, #tpu.memory_space<vmem>> -> memref<1x128x128xf32, #tpu.memory_space<vmem>>
      %dma_start3A_529 = tpu.memref_squeeze %dma_start3A_528 : memref<1x128x128xf32, #tpu.memory_space<vmem>> -> memref<128x128xf32, #tpu.memory_space<vmem>>
      %dma_start3A_530 = arith.constant 0 : i32
      %dma_start3A_531 = tpu.memref_slice %arg2[%add3A_524, %dma_start3A_530] : memref<320000x128xf32, #tpu.memory_space<hbm>> -> memref<128x128xf32, #tpu.memory_space<hbm>>
      %dma_start3A_532 = arith.constant 0 : i32
      %dma_start3A_533 = arith.constant 0 : i32
      %dma_start3A_534 = tpu.memref_slice %arg6[%dma_start3A_525, %dma_start3A_532, %dma_start3A_533] : memref<2x128x128xf32, #tpu.memory_space<vmem>> -> memref<1x128x128xf32, #tpu.memory_space<vmem>>
      %dma_start3A_535 = tpu.memref_squeeze %dma_start3A_534 : memref<1x128x128xf32, #tpu.memory_space<vmem>> -> memref<128x128xf32, #tpu.memory_space<vmem>>
      %dma_start3A_536 = arith.constant 0 : i32
      %dma_start3A_537 = tpu.memref_slice %arg2[%add3A_524, %dma_start3A_536] : memref<320000x128xf32, #tpu.memory_space<hbm>> -> memref<128x128xf32, #tpu.memory_space<hbm>>
      tpu.enqueue_dma source(%dma_start3A_537 : memref<128x128xf32, #tpu.memory_space<hbm>>) target(%dma_start3A_535 : memref<128x128xf32, #tpu.memory_space<vmem>>) target_semaphore(%arg10 : memref<!tpu.dma_semaphore, #tpu.memory_space<semaphore_mem>>)
    }
    %scan3A_422 = arith.constant 39 : i32
    %dma_wait3A_423 = arith.constant 0 : i32
    %dma_wait3A_424 = arith.constant 0 : i32
    %dma_wait3A_425 = arith.constant 0 : i32
    %dma_wait3A_426 = tpu.memref_slice %arg6[%dma_wait3A_423, %dma_wait3A_424, %dma_wait3A_425] : memref<2x128x128xf32, #tpu.memory_space<vmem>> -> memref<1x128x128xf32, #tpu.memory_space<vmem>>
    %dma_wait3A_427 = tpu.memref_squeeze %dma_wait3A_426 : memref<1x128x128xf32, #tpu.memory_space<vmem>> -> memref<128x128xf32, #tpu.memory_space<vmem>>
    %dma_wait3A_428 = arith.constant 0 : i32
    %dma_wait3A_429 = tpu.memref_slice %arg2[%add3A_165, %dma_wait3A_428] : memref<320000x128xf32, #tpu.memory_space<hbm>> -> memref<128x128xf32, #tpu.memory_space<hbm>>
    %dma_wait3A_430 = arith.constant 0 : i32
    %dma_wait3A_431 = arith.constant 0 : i32
    %dma_wait3A_432 = tpu.memref_slice %arg6[%dma_wait3A_423, %dma_wait3A_430, %dma_wait3A_431] : memref<2x128x128xf32, #tpu.memory_space<vmem>> -> memref<1x128x128xf32, #tpu.memory_space<vmem>>
    %dma_wait3A_433 = tpu.memref_squeeze %dma_wait3A_432 : memref<1x128x128xf32, #tpu.memory_space<vmem>> -> memref<128x128xf32, #tpu.memory_space<vmem>>
    %dma_wait3A_434 = arith.constant 0 : i32
    %dma_wait3A_435 = tpu.memref_slice %arg2[%add3A_165, %dma_wait3A_434] : memref<320000x128xf32, #tpu.memory_space<hbm>> -> memref<128x128xf32, #tpu.memory_space<hbm>>
    tpu.wait_dma2 semaphore(%arg9 : memref<!tpu.dma_semaphore, #tpu.memory_space<semaphore_mem>>) src(%dma_wait3A_435 : memref<128x128xf32, #tpu.memory_space<hbm>>) dst(%dma_wait3A_433 : memref<128x128xf32, #tpu.memory_space<vmem>>)
    %run_scoped3A = arith.constant 0 : i32
    %run_scoped3A_436 = arith.constant 78 : i32
    "tpu.region"() ({
      %run_scoped3A_455 = tpu.sem_alloc : memref<!tpu.dma_semaphore, #tpu.memory_space<semaphore_mem>>
      %dma_start3A_456 = arith.constant 0 : i32
      %dma_start3A_457 = arith.constant 0 : i32
      %dma_start3A_458 = tpu.memref_slice %arg6[%run_scoped3A, %dma_start3A_456, %dma_start3A_457] : memref<2x128x128xf32, #tpu.memory_space<vmem>> -> memref<1x128x128xf32, #tpu.memory_space<vmem>>
      %dma_start3A_459 = tpu.memref_squeeze %dma_start3A_458 : memref<1x128x128xf32, #tpu.memory_space<vmem>> -> memref<128x128xf32, #tpu.memory_space<vmem>>
      %dma_start3A_460 = arith.constant 0 : i32
      %dma_start3A_461 = tpu.memref_slice %arg5[%run_scoped3A_436, %dma_start3A_460] : memref<80x128xi32, #tpu.memory_space<vmem>> -> memref<1x128xi32, #tpu.memory_space<vmem>>
      %dma_start3A_462 = tpu.memref_squeeze %dma_start3A_461 : memref<1x128xi32, #tpu.memory_space<vmem>> -> memref<128xi32, #tpu.memory_space<vmem>>
      %dma_start3A_463 = arith.constant 0 : i32
      %dma_start3A_464 = arith.constant 0 : i32
      %dma_start3A_465 = tpu.memref_slice %arg7[%dma_start3A_463, %dma_start3A_464] : memref<10240x128xf32, #tpu.memory_space<vmem_shared>> -> memref<10240x128xf32, #tpu.memory_space<vmem_shared>>
      tpu.enqueue_indirect_dma source(%dma_start3A_459 : memref<128x128xf32, #tpu.memory_space<vmem>>) target(%dma_start3A_465 : memref<10240x128xf32, #tpu.memory_space<vmem_shared>>) offsets(%dma_start3A_462 : memref<128xi32, #tpu.memory_space<vmem>>) semaphore(%run_scoped3A_455 : memref<!tpu.dma_semaphore, #tpu.memory_space<semaphore_mem>>) {add = true}
      %dma_wait3A_466 = arith.constant 0 : i32
      %dma_wait3A_467 = arith.constant 0 : i32
      %dma_wait3A_468 = tpu.memref_slice %arg6[%run_scoped3A, %dma_wait3A_466, %dma_wait3A_467] : memref<2x128x128xf32, #tpu.memory_space<vmem>> -> memref<1x128x128xf32, #tpu.memory_space<vmem>>
      %dma_wait3A_469 = tpu.memref_squeeze %dma_wait3A_468 : memref<1x128x128xf32, #tpu.memory_space<vmem>> -> memref<128x128xf32, #tpu.memory_space<vmem>>
      %dma_wait3A_470 = arith.constant 0 : i32
      %dma_wait3A_471 = tpu.memref_slice %arg5[%run_scoped3A_436, %dma_wait3A_470] : memref<80x128xi32, #tpu.memory_space<vmem>> -> memref<1x128xi32, #tpu.memory_space<vmem>>
      %dma_wait3A_472 = tpu.memref_squeeze %dma_wait3A_471 : memref<1x128xi32, #tpu.memory_space<vmem>> -> memref<128xi32, #tpu.memory_space<vmem>>
      %dma_wait3A_473 = arith.constant 0 : i32
      %dma_wait3A_474 = arith.constant 0 : i32
      %dma_wait3A_475 = tpu.memref_slice %arg7[%dma_wait3A_473, %dma_wait3A_474] : memref<10240x128xf32, #tpu.memory_space<vmem_shared>> -> memref<10240x128xf32, #tpu.memory_space<vmem_shared>>
      tpu.wait_indirect_dma semaphore(%run_scoped3A_455 : memref<!tpu.dma_semaphore, #tpu.memory_space<semaphore_mem>>) src(%dma_wait3A_469 : memref<128x128xf32, #tpu.memory_space<vmem>>) dst(%dma_wait3A_475 : memref<10240x128xf32, #tpu.memory_space<vmem_shared>>)
      tpu.yield
    }) : () -> ()
    %dma_wait3A_437 = arith.constant 1 : i32
    %dma_wait3A_438 = arith.constant 0 : i32
    %dma_wait3A_439 = arith.constant 0 : i32
    %dma_wait3A_440 = tpu.memref_slice %arg6[%dma_wait3A_437, %dma_wait3A_438, %dma_wait3A_439] : memref<2x128x128xf32, #tpu.memory_space<vmem>> -> memref<1x128x128xf32, #tpu.memory_space<vmem>>
    %dma_wait3A_441 = tpu.memref_squeeze %dma_wait3A_440 : memref<1x128x128xf32, #tpu.memory_space<vmem>> -> memref<128x128xf32, #tpu.memory_space<vmem>>
    %dma_wait3A_442 = arith.constant 0 : i32
    %dma_wait3A_443 = tpu.memref_slice %arg2[%add3A_180, %dma_wait3A_442] : memref<320000x128xf32, #tpu.memory_space<hbm>> -> memref<128x128xf32, #tpu.memory_space<hbm>>
    %dma_wait3A_444 = arith.constant 0 : i32
    %dma_wait3A_445 = arith.constant 0 : i32
    %dma_wait3A_446 = tpu.memref_slice %arg6[%dma_wait3A_437, %dma_wait3A_444, %dma_wait3A_445] : memref<2x128x128xf32, #tpu.memory_space<vmem>> -> memref<1x128x128xf32, #tpu.memory_space<vmem>>
    %dma_wait3A_447 = tpu.memref_squeeze %dma_wait3A_446 : memref<1x128x128xf32, #tpu.memory_space<vmem>> -> memref<128x128xf32, #tpu.memory_space<vmem>>
    %dma_wait3A_448 = arith.constant 0 : i32
    %dma_wait3A_449 = tpu.memref_slice %arg2[%add3A_180, %dma_wait3A_448] : memref<320000x128xf32, #tpu.memory_space<hbm>> -> memref<128x128xf32, #tpu.memory_space<hbm>>
    tpu.wait_dma2 semaphore(%arg10 : memref<!tpu.dma_semaphore, #tpu.memory_space<semaphore_mem>>) src(%dma_wait3A_449 : memref<128x128xf32, #tpu.memory_space<hbm>>) dst(%dma_wait3A_447 : memref<128x128xf32, #tpu.memory_space<vmem>>)
    %run_scoped3A_450 = arith.constant 1 : i32
    %run_scoped3A_451 = arith.constant 79 : i32
    "tpu.region"() ({
      %run_scoped3A_455 = tpu.sem_alloc : memref<!tpu.dma_semaphore, #tpu.memory_space<semaphore_mem>>
      %dma_start3A_456 = arith.constant 0 : i32
      %dma_start3A_457 = arith.constant 0 : i32
      %dma_start3A_458 = tpu.memref_slice %arg6[%run_scoped3A_450, %dma_start3A_456, %dma_start3A_457] : memref<2x128x128xf32, #tpu.memory_space<vmem>> -> memref<1x128x128xf32, #tpu.memory_space<vmem>>
      %dma_start3A_459 = tpu.memref_squeeze %dma_start3A_458 : memref<1x128x128xf32, #tpu.memory_space<vmem>> -> memref<128x128xf32, #tpu.memory_space<vmem>>
      %dma_start3A_460 = arith.constant 0 : i32
      %dma_start3A_461 = tpu.memref_slice %arg5[%run_scoped3A_451, %dma_start3A_460] : memref<80x128xi32, #tpu.memory_space<vmem>> -> memref<1x128xi32, #tpu.memory_space<vmem>>
      %dma_start3A_462 = tpu.memref_squeeze %dma_start3A_461 : memref<1x128xi32, #tpu.memory_space<vmem>> -> memref<128xi32, #tpu.memory_space<vmem>>
      %dma_start3A_463 = arith.constant 0 : i32
      %dma_start3A_464 = arith.constant 0 : i32
      %dma_start3A_465 = tpu.memref_slice %arg7[%dma_start3A_463, %dma_start3A_464] : memref<10240x128xf32, #tpu.memory_space<vmem_shared>> -> memref<10240x128xf32, #tpu.memory_space<vmem_shared>>
      tpu.enqueue_indirect_dma source(%dma_start3A_459 : memref<128x128xf32, #tpu.memory_space<vmem>>) target(%dma_start3A_465 : memref<10240x128xf32, #tpu.memory_space<vmem_shared>>) offsets(%dma_start3A_462 : memref<128xi32, #tpu.memory_space<vmem>>) semaphore(%run_scoped3A_455 : memref<!tpu.dma_semaphore, #tpu.memory_space<semaphore_mem>>) {add = true}
      %dma_wait3A_466 = arith.constant 0 : i32
      %dma_wait3A_467 = arith.constant 0 : i32
      %dma_wait3A_468 = tpu.memref_slice %arg6[%run_scoped3A_450, %dma_wait3A_466, %dma_wait3A_467] : memref<2x128x128xf32, #tpu.memory_space<vmem>> -> memref<1x128x128xf32, #tpu.memory_space<vmem>>
      %dma_wait3A_469 = tpu.memref_squeeze %dma_wait3A_468 : memref<1x128x128xf32, #tpu.memory_space<vmem>> -> memref<128x128xf32, #tpu.memory_space<vmem>>
      %dma_wait3A_470 = arith.constant 0 : i32
      %dma_wait3A_471 = tpu.memref_slice %arg5[%run_scoped3A_451, %dma_wait3A_470] : memref<80x128xi32, #tpu.memory_space<vmem>> -> memref<1x128xi32, #tpu.memory_space<vmem>>
      %dma_wait3A_472 = tpu.memref_squeeze %dma_wait3A_471 : memref<1x128xi32, #tpu.memory_space<vmem>> -> memref<128xi32, #tpu.memory_space<vmem>>
      %dma_wait3A_473 = arith.constant 0 : i32
      %dma_wait3A_474 = arith.constant 0 : i32
      %dma_wait3A_475 = tpu.memref_slice %arg7[%dma_wait3A_473, %dma_wait3A_474] : memref<10240x128xf32, #tpu.memory_space<vmem_shared>> -> memref<10240x128xf32, #tpu.memory_space<vmem_shared>>
      tpu.wait_indirect_dma semaphore(%run_scoped3A_455 : memref<!tpu.dma_semaphore, #tpu.memory_space<semaphore_mem>>) src(%dma_wait3A_469 : memref<128x128xf32, #tpu.memory_space<vmem>>) dst(%dma_wait3A_475 : memref<10240x128xf32, #tpu.memory_space<vmem_shared>>)
      tpu.yield
    }) : () -> ()
    %barrier3A_452 = arith.constant 0 : index
    tpu.barrier barrier_id(%barrier3A_452)
    %mul3A_453 = arith.constant 640 : i32
    %mul3A_454 = arith.muli %arg1, %mul3A_453 : i32
    "tpu.region"() ({
      %run_scoped3A_455 = tpu.sem_alloc : memref<!tpu.dma_semaphore, #tpu.memory_space<semaphore_mem>>
      %dma_start3A_456 = arith.constant 0 : i32
      %dma_start3A_457 = tpu.memref_slice %arg4[%arg0, %mul3A_454, %dma_start3A_456] : memref<2x10240x128xf32, #tpu.memory_space<hbm>> -> memref<1x640x128xf32, #tpu.memory_space<hbm>>
      %dma_start3A_458 = tpu.memref_squeeze %dma_start3A_457 : memref<1x640x128xf32, #tpu.memory_space<hbm>> -> memref<640x128xf32, #tpu.memory_space<hbm>>
      %dma_start3A_459 = arith.constant 0 : i32
      %dma_start3A_460 = tpu.memref_slice %arg7[%mul3A_454, %dma_start3A_459] : memref<10240x128xf32, #tpu.memory_space<vmem_shared>> -> memref<640x128xf32, #tpu.memory_space<vmem_shared>>
      tpu.enqueue_dma source(%dma_start3A_460 : memref<640x128xf32, #tpu.memory_space<vmem_shared>>) target(%dma_start3A_458 : memref<640x128xf32, #tpu.memory_space<hbm>>) target_semaphore(%run_scoped3A_455 : memref<!tpu.dma_semaphore, #tpu.memory_space<semaphore_mem>>)
      %dma_wait3A_461 = arith.constant 0 : i32
      %dma_wait3A_462 = tpu.memref_slice %arg4[%arg0, %mul3A_454, %dma_wait3A_461] : memref<2x10240x128xf32, #tpu.memory_space<hbm>> -> memref<1x640x128xf32, #tpu.memory_space<hbm>>
      %dma_wait3A_463 = tpu.memref_squeeze %dma_wait3A_462 : memref<1x640x128xf32, #tpu.memory_space<hbm>> -> memref<640x128xf32, #tpu.memory_space<hbm>>
      %dma_wait3A_464 = arith.constant 0 : i32
      %dma_wait3A_465 = tpu.memref_slice %arg7[%mul3A_454, %dma_wait3A_464] : memref<10240x128xf32, #tpu.memory_space<vmem_shared>> -> memref<640x128xf32, #tpu.memory_space<vmem_shared>>
      tpu.wait_dma2 semaphore(%run_scoped3A_455 : memref<!tpu.dma_semaphore, #tpu.memory_space<semaphore_mem>>) src(%dma_wait3A_465 : memref<640x128xf32, #tpu.memory_space<vmem_shared>>) dst(%dma_wait3A_463 : memref<640x128xf32, #tpu.memory_space<hbm>>)
      tpu.yield
    }) : () -> ()
    return
  }
}

module attributes {stable_mosaic.version = 14 : i64} {
  func.func @_sum_partials_body(%arg0: i32, %arg1: memref<1x5000x128xf32, #tpu.memory_space<vmem>>, %arg2: memref<1x5000x128xf32, #tpu.memory_space<vmem>>, %arg3: memref<5000x128xf32, #tpu.memory_space<vmem>>) attributes {dimension_semantics = [#tpu.dimension_semantics<arbitrary>], iteration_bounds = array<i64: 2>, scalar_prefetch = 0 : i64, scratch_operands = 0 : i64, tpu.core_type = #tpu.core_type<tc>, window_params = [{transform_indices = @transform_0, window_bounds = array<i64: 1, 5000, 128>}, {transform_indices = @transform_1, window_bounds = array<i64: 1, 5000, 128>}, {transform_indices = @transform_2, window_bounds = array<i64: 5000, 128>}]} {
    %get3A = arith.constant 0 : index
    %get3A_0 = arith.constant 0 : index
    %get3A_1 = arith.constant 0 : index
    %get3A_2 = vector.load %arg1[%get3A, %get3A_0, %get3A_1] : memref<1x5000x128xf32, #tpu.memory_space<vmem>>, vector<1x5000x128xf32>
    %get3A_3 = vector.shape_cast %get3A_2 : vector<1x5000x128xf32> to vector<5000x128xf32>
    %get3A_4 = arith.constant 0 : index
    %get3A_5 = arith.constant 0 : index
    %get3A_6 = arith.constant 0 : index
    %get3A_7 = vector.load %arg2[%get3A_4, %get3A_5, %get3A_6] : memref<1x5000x128xf32, #tpu.memory_space<vmem>>, vector<1x5000x128xf32>
    %get3A_8 = vector.shape_cast %get3A_7 : vector<1x5000x128xf32> to vector<5000x128xf32>
    %add3A = arith.addf %get3A_3, %get3A_8 : vector<5000x128xf32>
    %swap3A = arith.constant 0 : index
    %swap3A_9 = arith.constant 0 : index
    %swap3A_10 = vector.load %arg3[%swap3A, %swap3A_9] : memref<5000x128xf32, #tpu.memory_space<vmem>>, vector<5000x128xf32>
    tpu.vector_store %arg3[%swap3A, %swap3A_9], %add3A {strides = array<i32>} : memref<5000x128xf32, #tpu.memory_space<vmem>>, vector<5000x128xf32>,
    return
  }
  func.func @transform_0(%arg0: i32) -> (i32, i32, i32) {
    %c0_i32 = arith.constant 0 : i32
    %c0_i32_0 = arith.constant 0 : i32
    %c0_i32_1 = arith.constant 0 : i32
    return %c0_i32, %arg0, %c0_i32_0 : i32, i32, i32
  }
  func.func @transform_1(%arg0: i32) -> (i32, i32, i32) {
    %c1_i32 = arith.constant 1 : i32
    %c0_i32 = arith.constant 0 : i32
    %c0_i32_0 = arith.constant 0 : i32
    return %c1_i32, %arg0, %c0_i32 : i32, i32, i32
  }
  func.func @transform_2(%arg0: i32) -> (i32, i32) {
    %c0_i32 = arith.constant 0 : i32
    %c0_i32_0 = arith.constant 0 : i32
    return %arg0, %c0_i32 : i32, i32
  }
}

</mosaic_0001>

<sc_bundles>
// kernel: kernel.4.cloned.1.call-start
scs
__scs_entry_jumppad:
0x0: {  	(pc) =	sbr.rel $0x88, $3  }
0x1: {  	(tag) =	ssettag $0x0;
	lr =	simm.s32 $0x1  }
0x2: {  	[smem:$0x3F9F] =	sst lr;
	_ =	strace $0xD0000000  }
0x3: {  	_ = 	snop  }
0x4: {  	_ = 	snop  }
0x5: {  	_ = 	snop  }
0x6: {  	_ = 	snop  }
0x7: {  	_ = 	snop  }
__scs_overlays_trampoline_lowered:
0x8: {  	[smem:$0x3FAE] =	sst s0  }
0x9: {  	[smem:$0x3FAF] =	sst s1  }
0xa: {  	[smem:$0x3FB0] =	sst s2  }
0xb: {  	[smem:$0x3FB1] =	sst s3  }
0xc: {  	[smem:$0x3FB2] =	sst s4  }
0xd: {  	[smem:$0x3FB3] =	sst s5  }
0xe: {  	[smem:$0x3FB4] =	sst s6  }
0xf: {  	[smem:$0x3FB5] =	sst s7  }
0x10: {  	[smem:$0x3FB6] =	sst s8  }
0x11: {  	[smem:$0x3FB7] =	sst s9;
	s0 =	simm.s32 @!p0 $0x0  }
0x12: {  	s1 =	sld [smem:$0x3F9D];
	s0 =	simm.s32 @p0 $0x1  }
0x13: {  	[smem:$0x3FB8] =	sst s0;
	s0 =	simm.s32 @!p1 $0x0  }
0x14: {  	s2 =	sld [smem:$0x3F9C];
	s0 =	simm.s32 @p1 $0x1  }
0x15: {  	[smem:$0x3FB9] =	sst s0;
	s0 =	simm.s32 @!p2 $0x0  }
0x16: {  	s3 =	sld [smem:$0x3FDB];
	s0 =	simm.s32 @p2 $0x1  }
0x17: {  	s4 =	simm.s32 $0x1BF5;
	[smem:$0x3FBB] =	sst s0  }
0x18: {  	s0 =	sld [smem:$0x3F9E];
	_ =	swait.ge [sflag:s4], $0x0  }
0x19: {  	s7 =	sld [smem:$0x3F9F]  }
0x1a: {  	s8 =	sadd.s32 $0xFFFFE003, lr  }
0x1b: {  	s9 =	sadd.s32 $0xFFFFFEF7, lr;
	s5 =	simm.s32 $0xFFFFFFFF;
	p2 =	slt.u32 s8, $0xFFFFF086  }
0x1c: {  	p1 =	slt.u32 s9, $0xF7A;
	s5 =	simm.s32 @!p2 $0x0  }
0x1d: {  	s5 =	simm.s32 @p1 $0x1;
	p0 =	seq.s32 s7, s2  }
0x1e: {  	s7 =	smul.u32 @!p0 $0xF7A, s2;
	p2 =	seq.s32 @!p0 s5, $0x0  }
0x1f: {  	s9 =	smul.u32 $0xF7A, s1;
	s8 =	simm.s32 @!p0 $0x1BF5;
	p2 =	por !p2, p0  }
0x20: {  	[sflag:s8] =	ssyncset.s32 @!p0 $0xFFFFF086;
	s6 =	sadd.s32 @!p0 s3, s7;
	s7 =	simm.s32 @!p0 $0x108  }
0x21: {  	s3 =	sadd.s32 s3, s9;
	s6 =	sadd.s32 @!p0 $0x88, s6;
	s7 =	simm.s32 @p2 $0x1082  }
0x22: {  	[simem:s7], [sflag:s8] =	dma.local @!p0 [hbm:s6], $0xF7A  }
0x23: {  	s9 =	sor.u32 $0xD0000000, s2;
	s6 =	simm.s32 $0x108;
	_ =	swait.ge @!p0 [sflag:s8], $0x0  }
0x24: {  	s3 =	sadd.s32 $0x88, s3;
	s6 =	simm.s32 @!p1 $0x1082;
	[sflag:s4] =	ssyncset.s32 $0xFFFFF086  }
0x25: {  	[simem:s6], [sflag:s4] =	dma.local [hbm:s3], $0xF7A  }
0x26: {  	[smem:$0x3F9F] =	sst s1;
	(tag) =	ssettag s2;
	_ =	strace s9  }
0x27: {  	s1 =	sld [smem:$0x3FAF]  }
0x28: {  	s2 =	sld [smem:$0x3FB0]  }
0x29: {  	s4 =	sld [smem:$0x3FB2]  }
0x2a: {  	p0 =	seq.s32 s5, $0x0;
	s5 =	sld [smem:$0x3FB3]  }
0x2b: {  	s6 =	sld [smem:$0x3FB4]  }
0x2c: {  	s7 =	sld [smem:$0x3FB5]  }
0x2d: {  	s3 =	simm.s32 $0x108;
	s8 =	sld [smem:$0x3FB6]  }
0x2e: {  	s3 =	simm.s32 @!p0 $0x1082;
	s9 =	sld [smem:$0x3FB7]  }
0x2f: {  	lr =	sadd.s32 s0, s3;
	s0 =	sld [smem:$0x3FAE]  }
0x30: {  	s3 =	sld [smem:$0x3FB1]  }
0x31: {  	[smem:$0x3FBA] =	sst s10  }
0x32: {  	s10 =	sld [smem:$0x3FB8];
	_ =	sdelay $0x3  }
0x33: {  	p0 =	seq.s32 s10, $0x1;
	s10 =	sld [smem:$0x3FBA];
	_ =	sdelay $0x3  }
0x34: {  	[smem:$0x3FBA] =	sst s10  }
0x35: {  	s10 =	sld [smem:$0x3FB9];
	_ =	sdelay $0x3  }
0x36: {  	p1 =	seq.s32 s10, $0x1;
	s10 =	sld [smem:$0x3FBA];
	_ =	sdelay $0x3  }
0x37: {  	[smem:$0x3FBA] =	sst s10  }
0x38: {  	s10 =	sld [smem:$0x3FBB]  }
0x39: {  	_ = 	snop;
	(pc) =	sbr.ind lr, $3  }
0x3a: {  	_ = 	snop  }
0x3b: {  	_ = 	snop  }
0x3c: {  	p2 =	seq.s32 s10, $0x1;
	s10 =	sld [smem:$0x3FBA]  }
0x3d: {  	_ =	shalt  }
0x3e: {  	_ =	shalt  }
0x3f: {  	_ =	shalt  }
0x40: {  	_ =	shalt  }
0x41: {  	_ =	shalt  }
0x42: {  	_ =	shalt  }
0x43: {  	_ =	shalt  }
0x44: {  	_ =	shalt  }
0x45: {  	_ =	shalt  }
0x46: {  	_ =	shalt  }
0x47: {  	_ =	shalt  }
0x48: {  	_ =	shalt  }
0x49: {  	_ =	shalt  }
0x4a: {  	_ =	shalt  }
0x4b: {  	_ =	shalt  }
0x4c: {  	_ =	shalt  }
0x4d: {  	_ =	shalt  }
0x4e: {  	_ =	shalt  }
0x4f: {  	_ =	shalt  }
0x50: {  	_ =	shalt  }
0x51: {  	_ =	shalt  }
0x52: {  	_ =	shalt  }
0x53: {  	_ =	shalt  }
0x54: {  	_ =	shalt  }
0x55: {  	_ =	shalt  }
0x56: {  	_ =	shalt  }
0x57: {  	_ =	shalt  }
0x58: {  	_ =	shalt  }
0x59: {  	_ =	shalt  }
0x5a: {  	_ =	shalt  }
0x5b: {  	_ =	shalt  }
0x5c: {  	_ =	shalt  }
0x5d: {  	_ =	shalt  }
0x5e: {  	_ =	shalt  }
0x5f: {  	_ =	shalt  }
0x60: {  	_ =	shalt  }
0x61: {  	_ =	shalt  }
0x62: {  	_ =	shalt  }
0x63: {  	_ =	shalt  }
0x64: {  	_ =	shalt  }
0x65: {  	_ =	shalt  }
0x66: {  	_ =	shalt  }
0x67: {  	_ =	shalt  }
0x68: {  	_ =	shalt  }
0x69: {  	_ =	shalt  }
0x6a: {  	_ =	shalt  }
0x6b: {  	_ =	shalt  }
0x6c: {  	_ =	shalt  }
0x6d: {  	_ =	shalt  }
0x6e: {  	_ =	shalt  }
0x6f: {  	_ =	shalt  }
0x70: {  	_ =	shalt  }
0x71: {  	_ =	shalt  }
0x72: {  	_ =	shalt  }
0x73: {  	_ =	shalt  }
0x74: {  	_ =	shalt  }
0x75: {  	_ =	shalt  }
0x76: {  	_ =	shalt  }
0x77: {  	_ =	shalt  }
0x78: {  	_ =	shalt  }
0x79: {  	_ =	shalt  }
0x7a: {  	_ =	shalt  }
0x7b: {  	_ =	shalt  }
0x7c: {  	_ =	shalt  }
0x7d: {  	_ =	shalt  }
0x7e: {  	_ =	shalt  }
0x7f: {  	_ =	shalt  }
0x80: {  	_ =	shalt  }
0x81: {  	_ =	shalt  }
0x82: {  	_ =	shalt  }
0x83: {  	_ =	shalt  }
0x84: {  	_ =	shalt  }
0x85: {  	_ =	shalt  }
0x86: {  	_ =	shalt  }
0x87: {  	_ =	shalt  }
.Lfunc_end0:
.L_simem_size_0:
called_computation_lowered:
.L_overlay_start_0:
0x88: {  	s2 =	sld [smem:$0x3FD9]  }
0x89: {  	s3 =	sld [smem:$0x3FFE];
	_ =	sdelay $0x1  }
0x8a: {  	s1 =	srdreg.scid  }
0x8b: {  	s0 =	sand.u32 $0x1, s1  }
0x8c: {  	s17 =	sshll.u32 s0, $0xA;
	s2 =	sadd.s32 s3, s2  }
0x8d: {  	s2 =	sadd.s32 s2, s17  }
0x8e: {  	[smem:$0x3FC6] =	sst s2  }
0x8f: {  	_ = 	snop  }
0x90: {  	s2 =	sld [smem:$0x3FC9]  }
0x91: {  	s18 =	sld [smem:$0x3FD0];
	(tm) =	ssettm $0x1  }
0x92: {  	s4 =	sld [smem:$0x3FFB];
	_ =	sdelay $0x3  }
0x93: {  	_ =	strace s4  }
0x94: {  	s4 =	sld [smem:$0x3FFC];
	_ =	sdelay $0x3  }
0x95: {  	_ =	strace s4  }
0x96: {  	s4 =	sld [smem:$0x3FFD];
	_ =	sdelay $0x3  }
0x97: {  	_ =	strace s4  }
0x98: {  	_ =	strace $0x8FFFFFFF  }
0x99: {  	s19 =	sld [smem:$0x3FDB];
	_ =	sdelay $0x1  }
0x9a: {  	s5 =	simm.s32 $_scs_section_size  }
0x9b: {  	s6 =	simm.s32 $_size__tile_overlayer_lowered;
	s7 =	simm.s32 $_tile_overlayer_lowered  }
0x9c: {  	s22 =	simm.s32 $0x1BFF;
	s21 =	sshll.u32 s7, $0x1;
	s4 =	sadd.s32 s5, s19  }
0x9d: {  	s8 =	simm.s32 $0x0;
	s20 =	sshll.u32 s6, $0x1;
	s6 =	sadd.s32 s21, s4  }
0x9e: {  	[timem:s8], [sflag:s22] =	dma.local [hbm:s6], s20  }
0x9f: {  	_ =	swait.ge [sflag:s22], s20  }
0xa0: {  	s5 =	ssub.s32 $0x0, s20;
	[sflag:s22] =	ssyncset.done $0x0  }
0xa1: {  	[sflag:s22] =	ssyncadd.s32 s5;
	_ =	sdelay $0x1  }
0xa2: {  	s23 =	simm.s32 $0x1B8B  }
0xa3: {  	_ =	swait.ge [sflag:s23], $0x1  }
0xa4: {  	[sflag:s23] =	ssyncset.done $0x0  }
0xa5: {  	s25 =	simm.s32 $0x1B8E;
	s24 =	sld [smem:$0x3FFE];
	[sflag:s23] =	ssyncadd.s32 $0xFFFFFFFF  }
0xa6: {  	s26 =	simm.s32 $execute0_lowered;
	[smem:$0x3FD2] =	sst s25  }
0xa7: {  	s6 =	sshll.u32 s26, $0x1;
	_ =	strace $0x80000046;
	[dreg:$0x1] =	wrdreg $0xFFFFFFFF  }
0xa8: {  	s28 =	simm.s32 $_size_execute0_lowered;
	s4 =	sadd.s32 s4, s6;
	[dreg:$0x0] =	wrdreg $0x0  }
0xa9: {  	s6 =	sshll.u32 s28, $0x1;
	[dreg:$0x2] =	wrdreg s4  }
0xaa: {  	[dreg:$0x3] =	wrdreg s6  }
0xab: {  	[dreg:$0x4] =	wrdreg $0xC0  }
0xac: {  	_ =	task [dreg:s8], $0x5FFFF  }
0xad: {  	[dreg:$0x1] =	wrdreg $0xFFFFFFFF  }
0xae: {  	[dreg:$0x0] =	wrdreg $0x60  }
0xaf: {  	[dreg:$0x2] =	wrdreg s2  }
0xb0: {  	[dreg:$0x3] =	wrdreg s18  }
0xb1: {  	[dreg:$0x4] =	wrdreg s24  }
0xb2: {  	[dreg:$0x5] =	wrdreg $0xA8000  }
0xb3: {  	[dreg:$0x6] =	wrdreg $0x9  }
0xb4: {  	_ =	task.clear_ibuf [dreg:s8], $0x7FFFF;
	_ =	strace $0x90000046  }
0xb5: {  	s29 =	simm.s32 $0x9;
	_ =	strace $0x80000048  }
0xb6: {  	_ =	swait.ge [sflag:s29], $0x1  }
0xb7: {  	[sflag:s29] =	ssyncadd.s32 $0xFFFFFFFF  }
0xb8: {  	_ =	strace $0x90000048  }
0xb9: {  	_ =	sfence  }
0xba: {  	s30 =	sld [smem:$0x0];
	_ =	sdelay $0x2  }
0xbb: {  	s31 =	sshll.u32 s1, $0xD;
	s1 =	sshrl.u32 s1, $0x2  }
0xbc: {  	s3 =	sand.u32 $0x4000, s31;
	s1 =	sadd.s32 s1, s30  }
0xbd: {  	s0 =	sor.u32 s3, s0;
	s1 =	sshll.u32 s1, $0x11  }
0xbe: {  	s0 =	sor.u32 s1, s0  }
0xbf: {  	s0 =	sadd.s32 $0x8F2B, s0  }
0xc0: {  	[sflag:s0] =	ssyncadd.remote.s32 $0x1  }
0xc1: {  	_ =	sfence.sel $0xFFFF  }
0xc2: {  	[dreg:$0x0] =	wrdreg $0xFFFFFFFF;
	(pc) =	sbr.abs _section_cstart, $3  }
0xc3: {  	[dreg:$0x1] =	wrdreg $0xFFFFFFFF  }
0xc4: {  	_ =	task.clear_ibuf [dreg:s8], $0x2FFFF;
	_ =	strace $0x9FFFFFFF  }
0xc5: {  	(tm) =	ssettm $0x7FFFFFFF  }
tec
execute0_lowered:
.L_overlay_start_1:
0x0: {  	(tag) =	ssettag $0x1  }
0x1: {  	s11 =	rddreg [dreg:$0x0]  }
0x2: {  	s5 =	rddreg [dreg:$0x1]  }
0x3: {  	s4 =	rddreg [dreg:$0x2];
	s0 =	srdreg.scid  }
0x4: {  	s2 =	rddreg [dreg:$0x3];
	s24 =	stileid.u32;
	s3 =	simm.s32 $0x0  }
0x5: {  	s18 =	simm.s32 $0x6800;
	s19 =	simm.s32 $0x1;
	s20 =	simm.s32 $0x80  }
0x6: {  	s21 =	simm.s32 $0x4;
	s22 =	simm.s32 $0x3;
	s7 =	smul.u32 $0x14000, s24  }
0x7: {  	s23 =	simm.s32 $0x2600;
	s28 =	simm.s32 $0x0;
	s8 =	smul.u32 $0x50000, s24  }
0x8: {  	s9 =	sand.u32 $0x1, s0;
	[smem:$0x7FF] =	sst s3;
	s17 =	smul.u32 $0x27100, s24  }
0x9: {  	s6 =	smul.u32 $0x140000, s9;
	_ =	strace $0x80000047;
	s26 =	ssub.s32 $0x2, s9  }
0xa: {  	s25 =	sshll.u32 s9, $0x4;
	s15 =	smul.u32 $0x271000, s9;
	s29 =	sshrl.u32 s26, $0x1  }
0xb: {  	s8 =	sshrl.u32 s8, $0x2;
	s6 =	sadd.s32 s7, s6;
	s7 =	sor.u32 s24, s25  }
0xc: {  	s13 =	ssub.s32 s26, s29;
	s15 =	sadd.s32 s15, s11;
	s10 =	smul.u32 $0x500, s7  }
0xd: {  	s24 =	simm.s32 $0x2680;
	s25 =	simm.s32 $0x2700;
	s14 =	smul.u32 $0x27100, s7  }
0xe: {  	s26 =	simm.s32 $0x2780;
	s6 =	sshrl.u32 s6, $0x3;
	s30 =	smul.u32 $0x138800, s7  }
0xf: {  	v0 =	vimm.f32 $0.0e+00;
	v15 =	vlaneseq.u32;
	s15 =	sadd.s32 s17, s15;
	s13 =	smax.u32 s13, $0x1;
	s17 =	simm.s32 $0x2  }
0x10: {  	v1 =	vor.u32 $0x2710, v15;
	v2 =	vor.u32 $0x2720, v15;
	v3 =	vor.u32 $0x2730, v15;
	s12 =	sadd.s32 s6, s4;
	s4 =	sadd.s32 s8, s2;
	s15 =	sadd.s32 $0x1800, s15  }
0x11: {  	v4 =	vor.u32 $0x2740, v15;
	v5 =	vor.u32 $0x2750, v15;
	v6 =	vor.u32 $0x2760, v15;
	s5 =	sadd.s32 s5, s10;
	s6 =	sadd.s32 $0x4000, s4;
	s7 =	sadd.s32 $0x8000, s4  }
0x12: {  	v7 =	vor.u32 $0x2770, v15;
	v8 =	vor.u32 $0x2780, v15;
	v9 =	vor.u32 $0x2790, v15;
	s8 =	sadd.s32 $0xC000, s4;
	s9 =	sadd.s32 $0x10000, s4;
	s16 =	sshrl.u32 s30, $0x3  }
0x13: {  	v10 =	vor.u32 $0x27A0, v15;
	v11 =	vor.u32 $0x27B0, v15;
	v12 =	vor.u32 $0x27C0, v15;
	s10 =	sadd.s32 s11, s14;
	s12 =	sadd.s32 $0x600, s12;
	s31 =	sadd.s32 s11, s16  }
0x14: {  	v13 =	vor.u32 $0x27D0, v15;
	v14 =	vor.u32 $0x27E0, v15;
	v15 =	vor.u32 $0x27F0, v15;
	s14 =	sadd.s32 $0x26900, s10;
	s16 =	simm.s32 $0x2800;
	s11 =	sadd.s32 $0x800, s31  }
.LBB2_1:
0x15: {  	[tilespmem:s3], [sflag:$0x1] =	stream.linear.gather [hbm4b:s5+s3], $0x2800, $0x38;
	[tilespmem:$0x1E800] =	vst v63  }
0x16: {  	s29 =	simm.s32 $0x0;
	s30 =	simm.s32 $0x200  }
.LBB2_2:
0x17: {  	p0 =	sne.s32 s30, $0xFE00;
	[tilespmem:s29+$0x2870] =	vst v0  }
0x18: {  	[tilespmem:s29+$0x2800] =	vst v0  }
0x19: {  	[tilespmem:s29+$0x2810] =	vst v0  }
.Ltmp0:
0x1a: {  	[tilespmem:s29+$0x2820] =	vst v0;
	(pc) =	sbr.rel @p0 .LBB2_2-.Ltmp0, $4  }
0x1b: {  	[tilespmem:s29+$0x2830] =	vst v0  }
0x1c: {  	[tilespmem:s29+$0x2840] =	vst v0  }
0x1d: {  	[tilespmem:s29+$0x2850] =	vst v0  }
0x1e: {  	[tilespmem:s29+$0x2860] =	vst v0;
	s29 =	sshra.s32 s30, $0x2;
	s30 =	sadd.s32 $0x200, s30  }
0x1f: {  	[tilespmem:s29+$0x2870] =	vst v0  }
0x20: {  	[tilespmem:s29+$0x2800] =	vst v0  }
0x21: {  	[tilespmem:s29+$0x2810] =	vst v0  }
0x22: {  	[tilespmem:s29+$0x2820] =	vst v0  }
0x23: {  	[tilespmem:s29+$0x2830] =	vst v0  }
0x24: {  	[tilespmem:s29+$0x2840] =	vst v0  }
0x25: {  	[tilespmem:s29+$0x2850] =	vst v0  }
0x26: {  	[tilespmem:s29+$0x2860] =	vst v0  }
0x27: {  	[spmem:s4] =	stream.linear.scatter [tilespmem:s16], [sflag:$0x2], $0x4000, $0x38;
	[tilespmem:$0x1E800] =	vst v63  }
0x28: {  	_ = 	snop  }
0x29: {  	[spmem:s6] =	stream.linear.scatter [tilespmem:s16], [sflag:$0x2], $0x4000, $0x38;
	[tilespmem:$0x1E800] =	vst v63  }
0x2a: {  	_ = 	snop  }
0x2b: {  	[spmem:s7] =	stream.linear.scatter [tilespmem:s16], [sflag:$0x2], $0x4000, $0x38;
	[tilespmem:$0x1E800] =	vst v63  }
0x2c: {  	_ = 	snop  }
0x2d: {  	[spmem:s8] =	stream.linear.scatter [tilespmem:s16], [sflag:$0x2], $0x4000, $0x38;
	[tilespmem:$0x1E800] =	vst v63  }
0x2e: {  	_ = 	snop  }
0x2f: {  	[spmem:s9] =	stream.linear.scatter [tilespmem:s16], [sflag:$0x2], $0x4000, $0x38;
	[tilespmem:$0x1E800] =	vst v63  }
0x30: {  	_ =	swait.ge [sflag:s17], $0x4000  }
0x31: {  	[sflag:s17] =	ssyncset.done $0x0  }
0x32: {  	[sflag:s17] =	ssyncadd.s32 $0xFFFFC000  }
0x33: {  	_ =	swait.ge [sflag:s17], $0x4000  }
0x34: {  	[sflag:s17] =	ssyncset.done $0x0  }
0x35: {  	[sflag:s17] =	ssyncadd.s32 $0xFFFFC000  }
0x36: {  	_ =	swait.ge [sflag:s17], $0x4000  }
0x37: {  	[sflag:s17] =	ssyncset.done $0x0  }
0x38: {  	[sflag:s17] =	ssyncadd.s32 $0xFFFFC000  }
0x39: {  	_ =	swait.ge [sflag:s17], $0x4000  }
0x3a: {  	[sflag:s17] =	ssyncset.done $0x0  }
0x3b: {  	[sflag:s17] =	ssyncadd.s32 $0xFFFFC000  }
0x3c: {  	_ =	swait.ge [sflag:s17], $0x4000  }
0x3d: {  	[sflag:s17] =	ssyncset.done $0x0  }
0x3e: {  	s29 =	simm.s32 $0x0;
	[sflag:s17] =	ssyncadd.s32 $0xFFFFC000  }
0x3f: {  	[tilespmem:s16], [sflag:$0x2] =	stream.linear.gather [hbm4b:s10+s29], $0x4000, $0x38;
	[tilespmem:$0x1E800] =	vst v63  }
0x40: {  	_ = 	snop  }
0x41: {  	[tilespmem:s18], [sflag:$0x3] =	stream.linear.gather [hbm4b:s11+s29], $0x4000, $0x38;
	[tilespmem:$0x1E800] =	vst v63  }
0x42: {  	_ =	swait.ge [sflag:s19], $0x2800  }
0x43: {  	[sflag:s19] =	ssyncset.done $0x0  }
0x44: {  	[sflag:s19] =	ssyncadd.s32 $0xFFFFD800  }
0x45: {  	v16 =	vld [tilespmem:$0x2700];
	[tilespmem:$0x2700] =	vst v1  }
0x46: {  	[tilespmem:$0x2710] =	vst v2  }
0x47: {  	[tilespmem:$0x2720] =	vst v3  }
0x48: {  	[tilespmem:$0x2730] =	vst v4  }
0x49: {  	[tilespmem:$0x2740] =	vst v5  }
0x4a: {  	[tilespmem:$0x2750] =	vst v6  }
0x4b: {  	[tilespmem:$0x2760] =	vst v7  }
0x4c: {  	[tilespmem:$0x2780] =	vst v8  }
0x4d: {  	[tilespmem:$0x2790] =	vst v9  }
0x4e: {  	[tilespmem:$0x27A0] =	vst v10  }
0x4f: {  	[tilespmem:$0x27B0] =	vst v11  }
0x50: {  	[tilespmem:$0x27C0] =	vst v12  }
0x51: {  	[tilespmem:$0x27D0] =	vst v13  }
0x52: {  	[tilespmem:$0x27E0] =	vst v14  }
0x53: {  	[tilespmem:$0x27F0] =	vst v15  }
0x54: {  	[tilespmem:$0x2770] =	vst v16  }
0x55: {  	[bflag:$0x0] =	sbarrier.arrive $0xFFFF  }
0x56: {  	_ =	swait.ge [sflag:s17], $0x4000  }
0x57: {  	[sflag:s17] =	ssyncset.done $0x0  }
0x58: {  	s29 =	simm.s32 $0x0;
	[sflag:s17] =	ssyncadd.s32 $0xFFFFC000  }
0x59: {  	[spmem:s2] =	stream.indirect.scatter.add.f32 [tilespmem:s16], [sflag:$0x4], $0x80, s29, s20, $0xb8;
	[tilespmem:$0x1E800] =	vst v63  }
0x5a: {  	_ =	swait.ge [sflag:s21], $0x4000  }
0x5b: {  	[sflag:s21] =	ssyncset.done $0x0  }
0x5c: {  	s29 =	sadd.s32 $0xFFFFF800, s15;
	[sflag:s21] =	ssyncadd.s32 $0xFFFFC000  }
0x5d: {  	[tilespmem:s16], [sflag:$0x2] =	stream.linear.gather [hbm4b:s29+s3], $0x4000, $0x38;
	[tilespmem:$0x1E800] =	vst v63  }
0x5e: {  	_ =	swait.ge [sflag:s22], $0x4000  }
0x5f: {  	[sflag:s22] =	ssyncset.done $0x0  }
0x60: {  	s29 =	simm.s32 $0x80;
	[sflag:s22] =	ssyncadd.s32 $0xFFFFC000  }
0x61: {  	[spmem:s2] =	stream.indirect.scatter.add.f32 [tilespmem:s18], [sflag:$0x4], $0x80, s29, s20, $0xb8;
	[tilespmem:$0x1E800] =	vst v63  }
0x62: {  	_ =	swait.ge [sflag:s21], $0x4000  }
0x63: {  	s30 =	sadd.s32 $0x1000, s15;
	[sflag:s21] =	ssyncset.done $0x0  }
0x64: {  	s31 =	smov.u32 s15;
	s29 =	simm.s32 $0x400;
	[sflag:s21] =	ssyncadd.s32 $0xFFFFC000  }
.LBB2_4:
0x65: {  	[tilespmem:s18], [sflag:$0x3] =	stream.linear.gather [hbm4b:s31+s3], $0x4000, $0x38;
	[tilespmem:$0x1E800] =	vst v63  }
0x66: {  	s0 =	smov.u32 s29;
	s31 =	smov.u32 s30  }
0x67: {  	p0 =	sne.s32 s29, $0x9400;
	s29 =	sadd.s32 $0x400, s29;
	_ =	swait.ge [sflag:s17], $0x4000  }
0x68: {  	[sflag:s17] =	ssyncset.done $0x0  }
0x69: {  	s0 =	sshra.s32 s0, $0x2;
	[sflag:s17] =	ssyncadd.s32 $0xFFFFC000  }
0x6a: {  	[spmem:s2] =	stream.indirect.scatter.add.f32 [tilespmem:s16], [sflag:$0x4], $0x80, s0, s20, $0xb8;
	[tilespmem:$0x1E800] =	vst v63  }
0x6b: {  	_ =	swait.ge [sflag:s21], $0x4000  }
0x6c: {  	[sflag:s21] =	ssyncset.done $0x0  }
0x6d: {  	s1 =	sadd.s32 $0xFFFFF800, s30;
	[sflag:s21] =	ssyncadd.s32 $0xFFFFC000  }
0x6e: {  	[tilespmem:s16], [sflag:$0x2] =	stream.linear.gather [hbm4b:s1+s3], $0x4000, $0x38;
	[tilespmem:$0x1E800] =	vst v63  }
0x6f: {  	_ =	swait.ge [sflag:s22], $0x4000  }
0x70: {  	[sflag:s22] =	ssyncset.done $0x0  }
.Ltmp1:
0x71: {  	s0 =	sadd.s32 $0x80, s0;
	[sflag:s22] =	ssyncadd.s32 $0xFFFFC000;
	(pc) =	sbr.rel @p0 .LBB2_4-.Ltmp1, $4  }
0x72: {  	[spmem:s2] =	stream.indirect.scatter.add.f32 [tilespmem:s18], [sflag:$0x4], $0x80, s0, s20, $0xb8;
	[tilespmem:$0x1E800] =	vst v63  }
0x73: {  	_ =	swait.ge [sflag:s21], $0x4000  }
0x74: {  	[sflag:s21] =	ssyncset.done $0x0  }
0x75: {  	s30 =	sadd.s32 $0x1000, s30;
	[sflag:s21] =	ssyncadd.s32 $0xFFFFC000  }
0x76: {  	[tilespmem:s18], [sflag:$0x3] =	stream.linear.gather [hbm4b:s31+s3], $0x4000, $0x38;
	[tilespmem:$0x1E800] =	vst v63  }
0x77: {  	_ =	swait.ge [sflag:s17], $0x4000  }
0x78: {  	[sflag:s17] =	ssyncset.done $0x0  }
0x79: {  	[sflag:s17] =	ssyncadd.s32 $0xFFFFC000  }
0x7a: {  	[spmem:s2] =	stream.indirect.scatter.add.f32 [tilespmem:s16], [sflag:$0x4], $0x80, s23, s20, $0xb8;
	[tilespmem:$0x1E800] =	vst v63  }
0x7b: {  	_ =	swait.ge [sflag:s21], $0x4000  }
0x7c: {  	[sflag:s21] =	ssyncset.done $0x0  }
0x7d: {  	[sflag:s21] =	ssyncadd.s32 $0xFFFFC000  }
0x7e: {  	[tilespmem:s16], [sflag:$0x2] =	stream.linear.gather [hbm4b:s14+s3], $0x4000, $0x38;
	[tilespmem:$0x1E800] =	vst v63  }
0x7f: {  	_ =	swait.ge [sflag:s22], $0x4000  }
0x80: {  	[sflag:s22] =	ssyncset.done $0x0  }
0x81: {  	[sflag:s22] =	ssyncadd.s32 $0xFFFFC000  }
0x82: {  	[spmem:s2] =	stream.indirect.scatter.add.f32 [tilespmem:s18], [sflag:$0x4], $0x80, s24, s20, $0xb8;
	[tilespmem:$0x1E800] =	vst v63  }
0x83: {  	_ =	swait.ge [sflag:s21], $0x4000  }
0x84: {  	[sflag:s21] =	ssyncset.done $0x0  }
0x85: {  	[sflag:s21] =	ssyncadd.s32 $0xFFFFC000  }
0x86: {  	[tilespmem:s18], [sflag:$0x3] =	stream.linear.gather [hbm4b:s10+s3], $0x4000, $0x38;
	[tilespmem:$0x1E800] =	vst v63  }
0x87: {  	_ =	swait.ge [sflag:s17], $0x4000  }
0x88: {  	[sflag:s17] =	ssyncset.done $0x0  }
0x89: {  	[sflag:s17] =	ssyncadd.s32 $0xFFFFC000  }
0x8a: {  	[spmem:s2] =	stream.indirect.scatter.add.f32 [tilespmem:s16], [sflag:$0x4], $0x80, s25, s20, $0xb8;
	[tilespmem:$0x1E800] =	vst v63  }
0x8b: {  	_ =	swait.ge [sflag:s21], $0x4000  }
0x8c: {  	[sflag:s21] =	ssyncset.done $0x0  }
0x8d: {  	[sflag:s21] =	ssyncadd.s32 $0xFFFFC000  }
0x8e: {  	_ =	swait.ge [sflag:s22], $0x4000  }
0x8f: {  	[sflag:s22] =	ssyncset.done $0x0  }
0x90: {  	[sflag:s22] =	ssyncadd.s32 $0xFFFFC000  }
0x91: {  	[spmem:s2] =	stream.indirect.scatter.add.f32 [tilespmem:s18], [sflag:$0x4], $0x80, s26, s20, $0xb8;
	[tilespmem:$0x1E800] =	vst v63  }
0x92: {  	s0 =	stileid.u32;
	_ =	swait.ge [sflag:s21], $0x4000  }
0x93: {  	s1 =	sshrl.u32 s4, $0x3;
	s28 =	sadd.s32 $0x1, s28;
	[sflag:s21] =	ssyncset.done $0x0  }
0x94: {  	s0 =	sshll.u32 s0, $0x6;
	p0 =	sne.s32 s28, s13;
	[sflag:s21] =	ssyncadd.s32 $0xFFFFC000  }
.Ltmp2:
0x95: {  	s0 =	sor.u32 $0x1C04, s0;
	[bflag:$0x0] =	sbarrier.arrive $0xFFFF;
	(pc) =	sbr.rel @p0 .LBB2_1-.Ltmp2, $4  }
0x96: {  	[hbm:s12], [sflag:s0] =	dma.local [spmem:s1], $0x2800  }
0x97: {  	_ =	swait.ge [sflag:s21], $0x2800  }
0x98: {  	[sflag:s21] =	ssyncset.done $0x0  }
0x99: {  	[sflag:s21] =	ssyncadd.s32 $0xFFFFD800  }
0x9a: {  	_ =	sfence.sel $0x180000  }
0x9b: {  	[bflag:$0x0] =	sbarrier.arrive $0xFFFF  }
0x9c: {  	_ =	strace $0x90000047  }
0x9d: {  	s0 =	stileid.u32;
	[bflag:$0x2] =	sbarrier.arrive $0xFFFF  }
0x9e: {  	p0 =	sne.s32 s0, $0x0;
	s0 =	rddreg [dreg:$0x4]  }
0x9f: {  	s0 =	sadd.s32 @!p0 $0x100000, s0  }
0xa0: {  	[sflag:s0] =	ssyncadd.tile.s32 @!p0 $0x1;
	_ =	shalt  }
.Lfunc_end2:
_tile_overlayer_lowered:
.L_overlay_start_2:
0xa1: {  	(tag) =	ssettag $0x2  }
0xa2: {  	s0 =	rddreg [dreg:$0x0];
	s2 =	stileid.u32  }
0xa3: {  	s1 =	rddreg [dreg:$0x1];
	p0 =	sne.s32 s2, $0x0  }
0xa4: {  	s3 =	rddreg [dreg:$0x2];
	[bflag:$0x3] =	sbarrier.arrive $0xFFFF;
	s2 =	simm.s32 @!p0 $0x1C04  }
0xa5: {  	[timem:s3], [sflag:s2] =	dma.local @!p0 [hbm:s0], s1  }
0xa6: {  	s0 =	simm.s32 @!p0 $0x4  }
0xa7: {  	_ =	swait.ge @!p0 [sflag:s0], s1  }
0xa8: {  	s1 =	ssub.s32 @!p0 $0x0, s1;
	[sflag:s0] =	ssyncset.done @!p0 $0x0  }
0xa9: {  	[sflag:s0] =	ssyncadd.s32 @!p0 s1  }
0xaa: {  	[bflag:$0x3] =	sbarrier.arrive $0xFFFF  }
0xab: {  	_ =	shalt  }

</sc_bundles>
